<compile_context>
chip_gen: v7x
topology: tpu7x:2x2x1
jax: 0.10.2.dev20260603
libtpu: 0.0.44.dev20260713+nightly
codegen_flags: <defaults>
</compile_context>

<pallas_src>
import functools

import jax
import jax.numpy as jnp
from jax.experimental import pallas as pl
from jax.experimental.pallas import tpu as pltpu

B, T, V, C = 32, 256, 32, 128
N_E = 1024
HID = 256
BETA = 0.25
R = B * T
RB = 512
NRB = R // RB

WAVES = (
    ((0, 0),),
    ((1, 0), (6, 0), (11, 0)),
    ((2, 1), (7, 6), (12, 11)),
    ((3, 2), (8, 7), (13, 12), (16, 12), (24, 12)),
    ((4, 3), (9, 8), (14, 13), (17, 16), (25, 24)),
    ((5, 4), (10, 9), (15, 14), (18, 17), (26, 25)),
    ((19, 18), (27, 26)),
    ((20, 19), (28, 27)),
    ((21, 20), (29, 28)),
    ((22, 21), (30, 29)),
    ((23, 22), (31, 30)),
)


def _vq_tail(h, E, e_ref, idx_ref, loss_ref, r):
    hn = jnp.sum(h * h, axis=1, keepdims=True)
    en = jnp.sum(E * E, axis=1)[None, :]
    d2 = hn - 2.0 * jnp.dot(h, E.T, preferred_element_type=jnp.float32) + en
    idx = jnp.argmin(d2, axis=1).astype(jnp.int32)
    oh = (jax.lax.broadcasted_iota(jnp.int32, (RB, N_E), 1) == idx[:, None])
    e = jnp.dot(oh.astype(jnp.float32), E, preferred_element_type=jnp.float32)
    diff = e - h
    e_ref[:, 0, 0, :] = e
    idx_ref[0, 0] = idx
    part = jnp.sum(diff * diff, axis=0, keepdims=True)[None]

    @pl.when(r == 0)
    def _():
        loss_ref[...] = part

    @pl.when(r != 0)
    def _():
        loss_ref[...] += part


def _root_body(z_ref, E_ref, e_ref, idx_ref, loss_ref):
    r = pl.program_id(0)
    _vq_tail(z_ref[0], E_ref[0], e_ref, idx_ref, loss_ref, r)


def _wave_body(jids_ref, pids_ref, ebuf_ref, z_ref, E_ref, W1a_ref, W1b_ref,
               b1_ref, g_ref, bl_ref, W2_ref, b2_ref, e_ref, idx_ref,
               loss_ref):
    r = pl.program_id(1)
    p = ebuf_ref[:, 0, 0, :]
    h1 = (jnp.dot(p, W1a_ref[...], preferred_element_type=jnp.float32)
          + jnp.dot(z_ref[0], W1b_ref[...], preferred_element_type=jnp.float32)
          + b1_ref[...])
    m = jnp.mean(h1, axis=-1, keepdims=True)
    v = jnp.mean((h1 - m) ** 2, axis=-1, keepdims=True)
    h1 = (h1 - m) / jnp.sqrt(v + 1e-5) * g_ref[...] + bl_ref[...]
    h1 = jnp.maximum(h1, 0.0)
    h = jnp.dot(h1, W2_ref[...], preferred_element_type=jnp.float32) + b2_ref[...]
    _vq_tail(h, E_ref[0], e_ref, idx_ref, loss_ref, r)


def _root_call():
    return pl.pallas_call(
        _root_body,
        grid=(NRB,),
        in_specs=[
            pl.BlockSpec((1, RB, C), lambda r: (0, r, 0)),
            pl.BlockSpec((1, N_E, C), lambda r: (0, 0, 0)),
        ],
        out_specs=(
            pl.BlockSpec((RB, 1, 1, C), lambda r: (r, 0, 0, 0)),
            pl.BlockSpec((1, 1, RB), lambda r: (r, 0, 0)),
            pl.BlockSpec((1, 1, C), lambda r: (0, 0, 0)),
        ),
        out_shape=(
            jax.ShapeDtypeStruct((R, V, 1, C), jnp.float32),
            jax.ShapeDtypeStruct((NRB, 1, RB), jnp.int32),
            jax.ShapeDtypeStruct((1, 1, C), jnp.float32),
        ),
    )


@functools.lru_cache(maxsize=None)
def _wave_call(nj):
    full = lambda j, r, jids, pids: (0, 0)
    return pl.pallas_call(
        _wave_body,
        grid_spec=pltpu.PrefetchScalarGridSpec(
            num_scalar_prefetch=2,
            grid=(nj, NRB),
            in_specs=[
                pl.BlockSpec((RB, 1, 1, C),
                             lambda j, r, jids, pids: (r, pids[j], 0, 0)),
                pl.BlockSpec((1, RB, C),
                             lambda j, r, jids, pids: (jids[j], r, 0)),
                pl.BlockSpec((1, N_E, C),
                             lambda j, r, jids, pids: (jids[j], 0, 0)),
                pl.BlockSpec((C, HID), full),
                pl.BlockSpec((C, HID), full),
                pl.BlockSpec((1, HID), full),
                pl.BlockSpec((1, HID), full),
                pl.BlockSpec((1, HID), full),
                pl.BlockSpec((HID, C), full),
                pl.BlockSpec((1, C), full),
            ],
            out_specs=(
                pl.BlockSpec((RB, 1, 1, C),
                             lambda j, r, jids, pids: (r, jids[j], 0, 0)),
                pl.BlockSpec((1, 1, RB),
                             lambda j, r, jids, pids: (j * NRB + r, 0, 0)),
                pl.BlockSpec((1, 1, C),
                             lambda j, r, jids, pids: (j, 0, 0)),
            ),
        ),
        out_shape=(
            jax.ShapeDtypeStruct((R, V, 1, C), jnp.float32),
            jax.ShapeDtypeStruct((nj * NRB, 1, RB), jnp.int32),
            jax.ShapeDtypeStruct((nj, 1, C), jnp.float32),
        ),
        input_output_aliases={2: 0},
    )


def kernel(z, emb, W1, b1, g_ln, b_ln, W2, b2):
    zt = jnp.transpose(z, (2, 0, 1, 3)).reshape(V, R, C)
    W1a, W1b = W1[:C], W1[C:]
    b1r = b1.reshape(1, HID)
    gr = g_ln.reshape(1, HID)
    blr = b_ln.reshape(1, HID)
    b2r = b2.reshape(1, C)

    i_all = [None] * V
    ebuf, idx, lp = _root_call()(zt, emb)
    i_all[0] = idx.reshape(R)
    loss_sum = jnp.sum(lp)
    for wave in WAVES[1:]:
        nj = len(wave)
        jids = jnp.array([j for j, _ in wave], jnp.int32)
        pids = jnp.array([p for _, p in wave], jnp.int32)
        ebuf, idx, lp = _wave_call(nj)(jids, pids, ebuf, zt, emb, W1a, W1b,
                                       b1r, gr, blr, W2, b2r)
        idx = idx.reshape(nj, R)
        for k, (j, _) in enumerate(wave):
            i_all[j] = idx[k]
        loss_sum = loss_sum + jnp.sum(lp)

    z_q = ebuf.reshape(B, T, V, C)
    indices = jnp.stack(i_all, axis=0).reshape(V, B, T).transpose(1, 2, 0)
    total = (1.0 + BETA) * loss_sum / (V * R * C)
    return z_q, total, indices

# --- scband reference (transcript-rebuilt; emitter-appended) ---
"""Pipeline reference for scband-mcvector-quantizer-61984968016343 (READ-ONLY COPY).

The authoritative reference and input builder live on the scoring server;
editing this copy changes nothing except your own understanding.
"""

import jax, jax.numpy as jnp
import numpy as np

B, T, V, C = 32, 256, 32, 128
N_E = 1024
HID = 256
BETA = 0.25
MOTION_CHAIN = [[0, 1, 2, 3, 4, 5], [0, 6, 7, 8, 9, 10], [0, 11, 12, 13, 14, 15], [12, 16, 17, 18, 19, 20, 21, 22, 23], [12, 24, 25, 26, 27, 28, 29, 30, 31]]


def _layernorm(x, g, b, eps=1e-5):
    m = jnp.mean(x, axis=-1, keepdims=True)
    v = jnp.var(x, axis=-1, keepdims=True)
    return (x - m) / jnp.sqrt(v + eps) * g + b


def _mlp(x, W1, b1, g_ln, b_ln, W2, b2):
    h = x @ W1 + b1
    h = _layernorm(h, g_ln, b_ln)
    h = jax.nn.relu(h)
    return h @ W2 + b2


def _quantize_joint(h, Ej, beta):
    Bh, Th, Ch = h.shape
    flat = h.reshape(-1, Ch)
    d2 = jnp.sum(flat * flat, axis=1, keepdims=True) - 2.0 * (flat @ Ej.T) + jnp.sum(Ej * Ej, axis=1)[None, :]
    idx = jnp.argmin(d2, axis=1)
    e = jnp.take(Ej, idx, axis=0).reshape(Bh, Th, Ch)
    commit = jnp.mean((jax.lax.stop_gradient(e) - h) ** 2)
    codebook = jnp.mean((e - jax.lax.stop_gradient(h)) ** 2)
    loss = commit + beta * codebook
    q = h + jax.lax.stop_gradient(e - h)
    return q, e, idx.reshape(Bh, Th), loss


def _forward(z, emb, W1, b1, g_ln, b_ln, W2, b2):
    Bz, Tz, Vz, Cz = z.shape
    visited = [False] * Vz
    sq = [None] * Vz
    se = [None] * Vz
    si = [None] * Vz
    total = 0.0
    for chain in MOTION_CHAIN:
        parent = None
        for i, j in enumerate(chain):
            if not visited[j]:
                zj = z[:, :, j, :]
                if i > 0:
                    h = _mlp(jnp.concatenate([parent, zj], axis=-1), W1, b1, g_ln, b_ln, W2, b2)
                else:
                    h = zj
                q, e, idx, loss = _quantize_joint(h, emb[j], BETA)
                visited[j] = True
                sq[j] = q
                se[j] = e
                si[j] = idx
                total = total + loss
            parent = jax.lax.stop_gradient(se[j])
    z_q = jnp.stack([sq[v] for v in range(Vz)], axis=2)
    indices = jnp.stack([si[v] for v in range(Vz)], axis=2)
    total = total / float(max(sum(visited), 1))
    return z_q, total, indices


def setup_inputs(seed: int = 0):
    key = jax.random.key(seed)
    ks = jax.random.split(key, 8)
    z = jax.random.normal(ks[0], (B, T, V, C), dtype=jnp.float32)
    be = float(np.sqrt(6.0 / (N_E + C)))
    emb = jax.random.uniform(ks[1], (V, N_E, C), minval=-be, maxval=be, dtype=jnp.float32)
    b1w = float(1.0 / np.sqrt(2 * C))
    W1 = jax.random.uniform(ks[2], (2 * C, HID), minval=-b1w, maxval=b1w, dtype=jnp.float32)
    b1 = jax.random.uniform(ks[3], (HID,), minval=-b1w, maxval=b1w, dtype=jnp.float32)
    g_ln = jnp.ones((HID,), jnp.float32)
    b_ln = jnp.zeros((HID,), jnp.float32)
    b2w = float(1.0 / np.sqrt(HID))
    W2 = jax.random.uniform(ks[4], (HID, C), minval=-b2w, maxval=b2w, dtype=jnp.float32)
    b2 = jax.random.uniform(ks[5], (C,), minval=-b2w, maxval=b2w, dtype=jnp.float32)
    return {'z': z, 'emb': emb, 'W1': W1, 'b1': b1, 'g_ln': g_ln, 'b_ln': b_ln, 'W2': W2, 'b2': b2}


def reference(z, emb, W1, b1, g_ln, b_ln, W2, b2):
    return _forward(z, emb, W1, b1, g_ln, b_ln, W2, b2)

if __name__ == "__main__":
    import jax
    _d = setup_inputs()
    print(jax.jit(kernel)(*tuple(_d.values())))

</pallas_src>

<mosaic_0001>
module attributes {stable_mosaic.version = 14 : i64} {
  func.func @_root_body(%arg0: i32, %arg1: memref<1x512x128xf32, #tpu.memory_space<vmem>>, %arg2: memref<1x1024x128xf32, #tpu.memory_space<vmem>>, %arg3: memref<512x1x1x128xf32, #tpu.memory_space<vmem>>, %arg4: memref<1x1x512xi32, #tpu.memory_space<vmem>>, %arg5: memref<1x1x128xf32, #tpu.memory_space<vmem>>) attributes {dimension_semantics = [#tpu.dimension_semantics<arbitrary>], iteration_bounds = array<i64: 16>, scalar_prefetch = 0 : i64, scratch_operands = 0 : i64, tpu.core_type = #tpu.core_type<tc>, window_params = [{transform_indices = @transform_0, window_bounds = array<i64: 1, 512, 128>}, {transform_indices = @transform_1, window_bounds = array<i64: 1, 1024, 128>}, {transform_indices = @transform_2, window_bounds = array<i64: 512, 1, 1, 128>}, {transform_indices = @transform_3, window_bounds = array<i64: 1, 1, 512>}, {pipeline_mode = #tpu.pipeline_mode<synchronous>, transform_indices = @transform_4, window_bounds = array<i64: 1, 1, 128>}]} {
    %get3A = arith.constant 0 : index
    %get3A_0 = arith.constant 0 : index
    %get3A_1 = arith.constant 0 : index
    %get3A_2 = vector.load %arg1[%get3A, %get3A_0, %get3A_1] : memref<1x512x128xf32, #tpu.memory_space<vmem>>, vector<1x512x128xf32>
    %get3A_3 = vector.shape_cast %get3A_2 : vector<1x512x128xf32> to vector<512x128xf32>
    %get3A_4 = arith.constant 0 : index
    %get3A_5 = arith.constant 0 : index
    %get3A_6 = arith.constant 0 : index
    %get3A_7 = vector.load %arg2[%get3A_4, %get3A_5, %get3A_6] : memref<1x1024x128xf32, #tpu.memory_space<vmem>>, vector<1x1024x128xf32>
    %get3A_8 = vector.shape_cast %get3A_7 : vector<1x1024x128xf32> to vector<1024x128xf32>
    %mul3A = arith.mulf %get3A_3, %get3A_3 : vector<512x128xf32>
    %reduce_sum3A = arith.constant dense<0.000000e+00> : vector<512xf32>
    %reduce_sum3A_9 = vector.multi_reduction <add>, %mul3A, %reduce_sum3A [1] : vector<512x128xf32> to vector<512xf32>
    %broadcast_in_dim3A = vector.shape_cast %reduce_sum3A_9 : vector<512xf32> to vector<512x1xf32>
    %mul3A_10 = arith.mulf %get3A_8, %get3A_8 : vector<1024x128xf32>
    %reduce_sum3A_11 = arith.constant dense<0.000000e+00> : vector<1024xf32>
    %reduce_sum3A_12 = vector.multi_reduction <add>, %mul3A_10, %reduce_sum3A_11 [1] : vector<1024x128xf32> to vector<1024xf32>
    %broadcast_in_dim3A_13 = vector.shape_cast %reduce_sum3A_12 : vector<1024xf32> to vector<1x1024xf32>
    %transpose3A = tpu.transpose %get3A_8, [1, 0] : vector<1024x128xf32> -> vector<128x1024xf32>
    %dot_general3A = arith.constant dense<0.000000e+00> : vector<512x1024xf32>
    %dot_general3A_14 = tpu.matmul %get3A_3, %transpose3A, %dot_general3A {dimension_numbers = #tpu.dot_dimension_numbers<[1], [0], [0], [1], [0, 0, 1, 1], [], []>, transpose_lhs_hint = false} : vector<512x128xf32>, vector<128x1024xf32>, vector<512x1024xf32> -> vector<512x1024xf32>
    %mul3A_15 = arith.constant 2.000000e+00 : f32
    %mul3A_16 = vector.broadcast %mul3A_15 : f32 to vector<512x1024xf32>
    %mul3A_17 = arith.mulf %mul3A_16, %dot_general3A_14 : vector<512x1024xf32>
    %sub3A = vector.broadcast %broadcast_in_dim3A : vector<512x1xf32> to vector<512x1024xf32>
    %sub3A_18 = arith.subf %sub3A, %mul3A_17 : vector<512x1024xf32>
    %add3A = vector.broadcast %broadcast_in_dim3A_13 : vector<1x1024xf32> to vector<512x1024xf32>
    %add3A_19 = arith.addf %sub3A_18, %add3A : vector<512x1024xf32>
    %argmin3A = tpu.reduce_index %add3A_19 {axis = 1 : i32, kind = #tpu.reduction_kind<arg_min>} : vector<512x1024xf32> -> vector<512xi32>
    %iota3A = tpu.iota {dimensions = array<i32: 1>} : vector<512x1024xi32>
    %broadcast_in_dim3A_20 = vector.shape_cast %argmin3A : vector<512xi32> to vector<512x1xi32>
    %eq3A = vector.broadcast %broadcast_in_dim3A_20 : vector<512x1xi32> to vector<512x1024xi32>
    %eq3A_21 = arith.cmpi eq, %iota3A, %eq3A : vector<512x1024xi32>
    %convert_element_type3A = arith.extui %eq3A_21 : vector<512x1024xi1> to vector<512x1024xi32>
    %convert_element_type3A_22 = arith.sitofp %convert_element_type3A : vector<512x1024xi32> to vector<512x1024xf32>
    %dot_general3A_23 = arith.constant dense<0.000000e+00> : vector<512x128xf32>
    %dot_general3A_24 = tpu.matmul %convert_element_type3A_22, %get3A_8, %dot_general3A_23 {dimension_numbers = #tpu.dot_dimension_numbers<[1], [0], [0], [1], [0, 0, 1, 1], [], []>, transpose_lhs_hint = false} : vector<512x1024xf32>, vector<1024x128xf32>, vector<512x128xf32> -> vector<512x128xf32>
    %sub3A_25 = arith.subf %dot_general3A_24, %get3A_3 : vector<512x128xf32>
    %swap3A = arith.constant 0 : index
    %swap3A_26 = arith.constant 0 : index
    %swap3A_27 = arith.constant 0 : index
    %swap3A_28 = arith.constant 0 : index
    %swap3A_29 = vector.load %arg3[%swap3A, %swap3A_26, %swap3A_27, %swap3A_28] : memref<512x1x1x128xf32, #tpu.memory_space<vmem>>, vector<512x1x1x128xf32>
    %swap3A_30 = vector.shape_cast %swap3A_29 : vector<512x1x1x128xf32> to vector<512x128xf32>
    %swap3A_31 = vector.shape_cast %dot_general3A_24 : vector<512x128xf32> to vector<512x1x1x128xf32>
    tpu.vector_store %arg3[%swap3A, %swap3A_26, %swap3A_27, %swap3A_28], %swap3A_31 {strides = array<i32>} : memref<512x1x1x128xf32, #tpu.memory_space<vmem>>, vector<512x1x1x128xf32>,
    %swap3A_32 = arith.constant 0 : index
    %swap3A_33 = arith.constant 0 : index
    %swap3A_34 = arith.constant 0 : index
    %swap3A_35 = vector.load %arg4[%swap3A_32, %swap3A_33, %swap3A_34] : memref<1x1x512xi32, #tpu.memory_space<vmem>>, vector<1x1x512xi32>
    %swap3A_36 = vector.shape_cast %swap3A_35 : vector<1x1x512xi32> to vector<512xi32>
    %swap3A_37 = vector.shape_cast %argmin3A : vector<512xi32> to vector<1x1x512xi32>
    tpu.vector_store %arg4[%swap3A_32, %swap3A_33, %swap3A_34], %swap3A_37 {strides = array<i32>} : memref<1x1x512xi32, #tpu.memory_space<vmem>>, vector<1x1x512xi32>,
    %mul3A_38 = arith.mulf %sub3A_25, %sub3A_25 : vector<512x128xf32>
    %reduce_sum3A_39 = arith.constant dense<0.000000e+00> : vector<128xf32>
    %reduce_sum3A_40 = vector.multi_reduction <add>, %mul3A_38, %reduce_sum3A_39 [0] : vector<512x128xf32> to vector<128xf32>
    %broadcast_in_dim3A_41 = vector.shape_cast %reduce_sum3A_40 : vector<128xf32> to vector<1x128xf32>
    %broadcast_in_dim3A_42 = vector.shape_cast %broadcast_in_dim3A_41 : vector<1x128xf32> to vector<1x1x128xf32>
    %eq3A_43 = arith.constant 0 : i32
    %eq3A_44 = arith.cmpi eq, %arg0, %eq3A_43 : i32
    %convert_element_type3A_45 = arith.extui %eq3A_44 : i1 to i32
    %cond3A = arith.constant 0 : i32
    %cond3A_46 = arith.cmpi ne, %convert_element_type3A_45, %cond3A : i32
    scf.if %cond3A_46 {
      %swap3A_51 = arith.constant 0 : index
      %swap3A_52 = arith.constant 0 : index
      %swap3A_53 = arith.constant 0 : index
      %swap3A_54 = vector.load %arg5[%swap3A_51, %swap3A_52, %swap3A_53] : memref<1x1x128xf32, #tpu.memory_space<vmem>>, vector<1x1x128xf32>
      tpu.vector_store %arg5[%swap3A_51, %swap3A_52, %swap3A_53], %broadcast_in_dim3A_42 {strides = array<i32>} : memref<1x1x128xf32, #tpu.memory_space<vmem>>, vector<1x1x128xf32>,
    } else {
    }
    %ne3A = arith.constant 0 : i32
    %ne3A_47 = arith.cmpi ne, %arg0, %ne3A : i32
    %convert_element_type3A_48 = arith.extui %ne3A_47 : i1 to i32
    %cond3A_49 = arith.constant 0 : i32
    %cond3A_50 = arith.cmpi ne, %convert_element_type3A_48, %cond3A_49 : i32
    scf.if %cond3A_50 {
      %get3A_51 = arith.constant 0 : index
      %get3A_52 = arith.constant 0 : index
      %get3A_53 = arith.constant 0 : index
      %get3A_54 = vector.load %arg5[%get3A_51, %get3A_52, %get3A_53] : memref<1x1x128xf32, #tpu.memory_space<vmem>>, vector<1x1x128xf32>
      %add3A_55 = arith.addf %get3A_54, %broadcast_in_dim3A_42 : vector<1x1x128xf32>
      %swap3A_56 = arith.constant 0 : index
      %swap3A_57 = arith.constant 0 : index
      %swap3A_58 = arith.constant 0 : index
      %swap3A_59 = vector.load %arg5[%swap3A_56, %swap3A_57, %swap3A_58] : memref<1x1x128xf32, #tpu.memory_space<vmem>>, vector<1x1x128xf32>
      tpu.vector_store %arg5[%swap3A_56, %swap3A_57, %swap3A_58], %add3A_55 {strides = array<i32>} : memref<1x1x128xf32, #tpu.memory_space<vmem>>, vector<1x1x128xf32>,
    } else {
    }
    return
  }
  func.func @transform_0(%arg0: i32) -> (i32, i32, i32) {
    %c0_i32 = arith.constant 0 : i32
    %c0_i32_0 = arith.constant 0 : i32
    %c0_i32_1 = arith.constant 0 : i32
    return %c0_i32, %arg0, %c0_i32_0 : i32, i32, i32
  }
  func.func @transform_1(%arg0: i32) -> (i32, i32, i32) {
    %c0_i32 = arith.constant 0 : i32
    %c0_i32_0 = arith.constant 0 : i32
    %c0_i32_1 = arith.constant 0 : i32
    %c0_i32_2 = arith.constant 0 : i32
    return %c0_i32, %c0_i32_0, %c0_i32_1 : i32, i32, i32
  }
  func.func @transform_2(%arg0: i32) -> (i32, i32, i32, i32) {
    %c0_i32 = arith.constant 0 : i32
    %c0_i32_0 = arith.constant 0 : i32
    %c0_i32_1 = arith.constant 0 : i32
    %c0_i32_2 = arith.constant 0 : i32
    return %arg0, %c0_i32, %c0_i32_0, %c0_i32_1 : i32, i32, i32, i32
  }
  func.func @transform_3(%arg0: i32) -> (i32, i32, i32) {
    %c0_i32 = arith.constant 0 : i32
    %c0_i32_0 = arith.constant 0 : i32
    %c0_i32_1 = arith.constant 0 : i32
    return %arg0, %c0_i32, %c0_i32_0 : i32, i32, i32
  }
  func.func @transform_4(%arg0: i32) -> (i32, i32, i32) {
    %c0_i32 = arith.constant 0 : i32
    %c0_i32_0 = arith.constant 0 : i32
    %c0_i32_1 = arith.constant 0 : i32
    %c0_i32_2 = arith.constant 0 : i32
    return %c0_i32, %c0_i32_0, %c0_i32_1 : i32, i32, i32
  }
}

module attributes {stable_mosaic.version = 14 : i64} {
  func.func @_wave_body(%arg0: i32, %arg1: i32, %arg2: memref<3xi32, #tpu.memory_space<smem>>, %arg3: memref<3xi32, #tpu.memory_space<smem>>, %arg4: memref<512x1x1x128xf32, #tpu.memory_space<vmem>>, %arg5: memref<1x512x128xf32, #tpu.memory_space<vmem>>, %arg6: memref<1x1024x128xf32, #tpu.memory_space<vmem>>, %arg7: memref<128x256xf32, #tpu.memory_space<vmem>>, %arg8: memref<128x256xf32, #tpu.memory_space<vmem>>, %arg9: memref<1x256xf32, #tpu.memory_space<vmem>>, %arg10: memref<1x256xf32, #tpu.memory_space<vmem>>, %arg11: memref<1x256xf32, #tpu.memory_space<vmem>>, %arg12: memref<256x128xf32, #tpu.memory_space<vmem>>, %arg13: memref<1x128xf32, #tpu.memory_space<vmem>>, %arg14: memref<512x1x1x128xf32, #tpu.memory_space<vmem>>, %arg15: memref<1x1x512xi32, #tpu.memory_space<vmem>>, %arg16: memref<1x1x128xf32, #tpu.memory_space<vmem>>) attributes {dimension_semantics = [#tpu.dimension_semantics<arbitrary>, #tpu.dimension_semantics<arbitrary>], iteration_bounds = array<i64: 3, 16>, scalar_prefetch = 2 : i64, scratch_operands = 0 : i64, tpu.core_type = #tpu.core_type<tc>, window_params = [{transform_indices = @transform_0, window_bounds = array<i64: 512, 1, 1, 128>}, {transform_indices = @transform_1, window_bounds = array<i64: 1, 512, 128>}, {transform_indices = @transform_2, window_bounds = array<i64: 1, 1024, 128>}, {pipeline_mode = #tpu.pipeline_mode<synchronous>, transform_indices = @transform_3, window_bounds = array<i64: 128, 256>}, {pipeline_mode = #tpu.pipeline_mode<synchronous>, transform_indices = @transform_4, window_bounds = array<i64: 128, 256>}, {pipeline_mode = #tpu.pipeline_mode<synchronous>, transform_indices = @transform_5, window_bounds = array<i64: 1, 256>}, {pipeline_mode = #tpu.pipeline_mode<synchronous>, transform_indices = @transform_6, window_bounds = array<i64: 1, 256>}, {pipeline_mode = #tpu.pipeline_mode<synchronous>, transform_indices = @transform_7, window_bounds = array<i64: 1, 256>}, {pipeline_mode = #tpu.pipeline_mode<synchronous>, transform_indices = @transform_8, window_bounds = array<i64: 256, 128>}, {pipeline_mode = #tpu.pipeline_mode<synchronous>, transform_indices = @transform_9, window_bounds = array<i64: 1, 128>}, {transform_indices = @transform_10, window_bounds = array<i64: 512, 1, 1, 128>}, {transform_indices = @transform_11, window_bounds = array<i64: 1, 1, 512>}, {transform_indices = @transform_12, window_bounds = array<i64: 1, 1, 128>}]} {
    %get3A = arith.constant 0 : index
    %get3A_0 = arith.constant 0 : index
    %get3A_1 = arith.constant 0 : index
    %get3A_2 = arith.constant 0 : index
    %get3A_3 = vector.load %arg4[%get3A, %get3A_0, %get3A_1, %get3A_2] : memref<512x1x1x128xf32, #tpu.memory_space<vmem>>, vector<512x1x1x128xf32>
    %get3A_4 = vector.shape_cast %get3A_3 : vector<512x1x1x128xf32> to vector<512x128xf32>
    %get3A_5 = arith.constant 0 : index
    %get3A_6 = arith.constant 0 : index
    %get3A_7 = vector.load %arg7[%get3A_5, %get3A_6] : memref<128x256xf32, #tpu.memory_space<vmem>>, vector<128x256xf32>
    %dot_general3A = arith.constant dense<0.000000e+00> : vector<512x256xf32>
    %dot_general3A_8 = tpu.matmul %get3A_4, %get3A_7, %dot_general3A {dimension_numbers = #tpu.dot_dimension_numbers<[1], [0], [0], [1], [0, 0, 1, 1], [], []>, transpose_lhs_hint = false} : vector<512x128xf32>, vector<128x256xf32>, vector<512x256xf32> -> vector<512x256xf32>
    %get3A_9 = arith.constant 0 : index
    %get3A_10 = arith.constant 0 : index
    %get3A_11 = arith.constant 0 : index
    %get3A_12 = vector.load %arg5[%get3A_9, %get3A_10, %get3A_11] : memref<1x512x128xf32, #tpu.memory_space<vmem>>, vector<1x512x128xf32>
    %get3A_13 = vector.shape_cast %get3A_12 : vector<1x512x128xf32> to vector<512x128xf32>
    %get3A_14 = arith.constant 0 : index
    %get3A_15 = arith.constant 0 : index
    %get3A_16 = vector.load %arg8[%get3A_14, %get3A_15] : memref<128x256xf32, #tpu.memory_space<vmem>>, vector<128x256xf32>
    %dot_general3A_17 = arith.constant dense<0.000000e+00> : vector<512x256xf32>
    %dot_general3A_18 = tpu.matmul %get3A_13, %get3A_16, %dot_general3A_17 {dimension_numbers = #tpu.dot_dimension_numbers<[1], [0], [0], [1], [0, 0, 1, 1], [], []>, transpose_lhs_hint = false} : vector<512x128xf32>, vector<128x256xf32>, vector<512x256xf32> -> vector<512x256xf32>
    %add3A = arith.addf %dot_general3A_8, %dot_general3A_18 : vector<512x256xf32>
    %get3A_19 = arith.constant 0 : index
    %get3A_20 = arith.constant 0 : index
    %get3A_21 = vector.load %arg9[%get3A_19, %get3A_20] : memref<1x256xf32, #tpu.memory_space<vmem>>, vector<1x256xf32>
    %add3A_22 = vector.broadcast %get3A_21 : vector<1x256xf32> to vector<512x256xf32>
    %add3A_23 = arith.addf %add3A, %add3A_22 : vector<512x256xf32>
    %reduce_sum3A = arith.constant dense<0.000000e+00> : vector<512xf32>
    %reduce_sum3A_24 = vector.multi_reduction <add>, %add3A_23, %reduce_sum3A [1] : vector<512x256xf32> to vector<512xf32>
    %broadcast_in_dim3A = vector.shape_cast %reduce_sum3A_24 : vector<512xf32> to vector<512x1xf32>
    %div3A = arith.constant 2.560000e+02 : f32
    %div3A_25 = vector.broadcast %div3A : f32 to vector<512x1xf32>
    %div3A_26 = arith.divf %broadcast_in_dim3A, %div3A_25 : vector<512x1xf32>
    %sub3A = vector.broadcast %div3A_26 : vector<512x1xf32> to vector<512x256xf32>
    %sub3A_27 = arith.subf %add3A_23, %sub3A : vector<512x256xf32>
    %integer_pow3A = arith.mulf %sub3A_27, %sub3A_27 : vector<512x256xf32>
    %reduce_sum3A_28 = arith.constant dense<0.000000e+00> : vector<512xf32>
    %reduce_sum3A_29 = vector.multi_reduction <add>, %integer_pow3A, %reduce_sum3A_28 [1] : vector<512x256xf32> to vector<512xf32>
    %broadcast_in_dim3A_30 = vector.shape_cast %reduce_sum3A_29 : vector<512xf32> to vector<512x1xf32>
    %div3A_31 = arith.constant 2.560000e+02 : f32
    %div3A_32 = vector.broadcast %div3A_31 : f32 to vector<512x1xf32>
    %div3A_33 = arith.divf %broadcast_in_dim3A_30, %div3A_32 : vector<512x1xf32>
    %sub3A_34 = vector.broadcast %div3A_26 : vector<512x1xf32> to vector<512x256xf32>
    %sub3A_35 = arith.subf %add3A_23, %sub3A_34 : vector<512x256xf32>
    %add3A_36 = arith.constant 9.99999974E-6 : f32
    %add3A_37 = vector.broadcast %add3A_36 : f32 to vector<512x1xf32>
    %add3A_38 = arith.addf %div3A_33, %add3A_37 : vector<512x1xf32>
    %sqrt3A = math.sqrt %add3A_38 : vector<512x1xf32>
    %div3A_39 = vector.broadcast %sqrt3A : vector<512x1xf32> to vector<512x256xf32>
    %div3A_40 = arith.divf %sub3A_35, %div3A_39 : vector<512x256xf32>
    %get3A_41 = arith.constant 0 : index
    %get3A_42 = arith.constant 0 : index
    %get3A_43 = vector.load %arg10[%get3A_41, %get3A_42] : memref<1x256xf32, #tpu.memory_space<vmem>>, vector<1x256xf32>
    %mul3A = vector.broadcast %get3A_43 : vector<1x256xf32> to vector<512x256xf32>
    %mul3A_44 = arith.mulf %div3A_40, %mul3A : vector<512x256xf32>
    %get3A_45 = arith.constant 0 : index
    %get3A_46 = arith.constant 0 : index
    %get3A_47 = vector.load %arg11[%get3A_45, %get3A_46] : memref<1x256xf32, #tpu.memory_space<vmem>>, vector<1x256xf32>
    %add3A_48 = vector.broadcast %get3A_47 : vector<1x256xf32> to vector<512x256xf32>
    %add3A_49 = arith.addf %mul3A_44, %add3A_48 : vector<512x256xf32>
    %max3A = arith.constant 0.000000e+00 : f32
    %max3A_50 = vector.broadcast %max3A : f32 to vector<512x256xf32>
    %max3A_51 = arith.maximumf %add3A_49, %max3A_50 : vector<512x256xf32>
    %get3A_52 = arith.constant 0 : index
    %get3A_53 = arith.constant 0 : index
    %get3A_54 = vector.load %arg12[%get3A_52, %get3A_53] : memref<256x128xf32, #tpu.memory_space<vmem>>, vector<256x128xf32>
    %dot_general3A_55 = arith.constant dense<0.000000e+00> : vector<512x128xf32>
    %dot_general3A_56 = tpu.matmul %max3A_51, %get3A_54, %dot_general3A_55 {dimension_numbers = #tpu.dot_dimension_numbers<[1], [0], [0], [1], [0, 0, 1, 1], [], []>, transpose_lhs_hint = false} : vector<512x256xf32>, vector<256x128xf32>, vector<512x128xf32> -> vector<512x128xf32>
    %get3A_57 = arith.constant 0 : index
    %get3A_58 = arith.constant 0 : index
    %get3A_59 = vector.load %arg13[%get3A_57, %get3A_58] : memref<1x128xf32, #tpu.memory_space<vmem>>, vector<1x128xf32>
    %add3A_60 = vector.broadcast %get3A_59 : vector<1x128xf32> to vector<512x128xf32>
    %add3A_61 = arith.addf %dot_general3A_56, %add3A_60 : vector<512x128xf32>
    %get3A_62 = arith.constant 0 : index
    %get3A_63 = arith.constant 0 : index
    %get3A_64 = arith.constant 0 : index
    %get3A_65 = vector.load %arg6[%get3A_62, %get3A_63, %get3A_64] : memref<1x1024x128xf32, #tpu.memory_space<vmem>>, vector<1x1024x128xf32>
    %get3A_66 = vector.shape_cast %get3A_65 : vector<1x1024x128xf32> to vector<1024x128xf32>
    %mul3A_67 = arith.mulf %add3A_61, %add3A_61 : vector<512x128xf32>
    %reduce_sum3A_68 = arith.constant dense<0.000000e+00> : vector<512xf32>
    %reduce_sum3A_69 = vector.multi_reduction <add>, %mul3A_67, %reduce_sum3A_68 [1] : vector<512x128xf32> to vector<512xf32>
    %broadcast_in_dim3A_70 = vector.shape_cast %reduce_sum3A_69 : vector<512xf32> to vector<512x1xf32>
    %mul3A_71 = arith.mulf %get3A_66, %get3A_66 : vector<1024x128xf32>
    %reduce_sum3A_72 = arith.constant dense<0.000000e+00> : vector<1024xf32>
    %reduce_sum3A_73 = vector.multi_reduction <add>, %mul3A_71, %reduce_sum3A_72 [1] : vector<1024x128xf32> to vector<1024xf32>
    %broadcast_in_dim3A_74 = vector.shape_cast %reduce_sum3A_73 : vector<1024xf32> to vector<1x1024xf32>
    %transpose3A = tpu.transpose %get3A_66, [1, 0] : vector<1024x128xf32> -> vector<128x1024xf32>
    %dot_general3A_75 = arith.constant dense<0.000000e+00> : vector<512x1024xf32>
    %dot_general3A_76 = tpu.matmul %add3A_61, %transpose3A, %dot_general3A_75 {dimension_numbers = #tpu.dot_dimension_numbers<[1], [0], [0], [1], [0, 0, 1, 1], [], []>, transpose_lhs_hint = false} : vector<512x128xf32>, vector<128x1024xf32>, vector<512x1024xf32> -> vector<512x1024xf32>
    %mul3A_77 = arith.constant 2.000000e+00 : f32
    %mul3A_78 = vector.broadcast %mul3A_77 : f32 to vector<512x1024xf32>
    %mul3A_79 = arith.mulf %mul3A_78, %dot_general3A_76 : vector<512x1024xf32>
    %sub3A_80 = vector.broadcast %broadcast_in_dim3A_70 : vector<512x1xf32> to vector<512x1024xf32>
    %sub3A_81 = arith.subf %sub3A_80, %mul3A_79 : vector<512x1024xf32>
    %add3A_82 = vector.broadcast %broadcast_in_dim3A_74 : vector<1x1024xf32> to vector<512x1024xf32>
    %add3A_83 = arith.addf %sub3A_81, %add3A_82 : vector<512x1024xf32>
    %argmin3A = tpu.reduce_index %add3A_83 {axis = 1 : i32, kind = #tpu.reduction_kind<arg_min>} : vector<512x1024xf32> -> vector<512xi32>
    %iota3A = tpu.iota {dimensions = array<i32: 1>} : vector<512x1024xi32>
    %broadcast_in_dim3A_84 = vector.shape_cast %argmin3A : vector<512xi32> to vector<512x1xi32>
    %eq3A = vector.broadcast %broadcast_in_dim3A_84 : vector<512x1xi32> to vector<512x1024xi32>
    %eq3A_85 = arith.cmpi eq, %iota3A, %eq3A : vector<512x1024xi32>
    %convert_element_type3A = arith.extui %eq3A_85 : vector<512x1024xi1> to vector<512x1024xi32>
    %convert_element_type3A_86 = arith.sitofp %convert_element_type3A : vector<512x1024xi32> to vector<512x1024xf32>
    %dot_general3A_87 = arith.constant dense<0.000000e+00> : vector<512x128xf32>
    %dot_general3A_88 = tpu.matmul %convert_element_type3A_86, %get3A_66, %dot_general3A_87 {dimension_numbers = #tpu.dot_dimension_numbers<[1], [0], [0], [1], [0, 0, 1, 1], [], []>, transpose_lhs_hint = false} : vector<512x1024xf32>, vector<1024x128xf32>, vector<512x128xf32> -> vector<512x128xf32>
    %sub3A_89 = arith.subf %dot_general3A_88, %add3A_61 : vector<512x128xf32>
    %swap3A = arith.constant 0 : index
    %swap3A_90 = arith.constant 0 : index
    %swap3A_91 = arith.constant 0 : index
    %swap3A_92 = arith.constant 0 : index
    %swap3A_93 = vector.load %arg14[%swap3A, %swap3A_90, %swap3A_91, %swap3A_92] : memref<512x1x1x128xf32, #tpu.memory_space<vmem>>, vector<512x1x1x128xf32>
    %swap3A_94 = vector.shape_cast %swap3A_93 : vector<512x1x1x128xf32> to vector<512x128xf32>
    %swap3A_95 = vector.shape_cast %dot_general3A_88 : vector<512x128xf32> to vector<512x1x1x128xf32>
    tpu.vector_store %arg14[%swap3A, %swap3A_90, %swap3A_91, %swap3A_92], %swap3A_95 {strides = array<i32>} : memref<512x1x1x128xf32, #tpu.memory_space<vmem>>, vector<512x1x1x128xf32>,
    %swap3A_96 = arith.constant 0 : index
    %swap3A_97 = arith.constant 0 : index
    %swap3A_98 = arith.constant 0 : index
    %swap3A_99 = vector.load %arg15[%swap3A_96, %swap3A_97, %swap3A_98] : memref<1x1x512xi32, #tpu.memory_space<vmem>>, vector<1x1x512xi32>
    %swap3A_100 = vector.shape_cast %swap3A_99 : vector<1x1x512xi32> to vector<512xi32>
    %swap3A_101 = vector.shape_cast %argmin3A : vector<512xi32> to vector<1x1x512xi32>
    tpu.vector_store %arg15[%swap3A_96, %swap3A_97, %swap3A_98], %swap3A_101 {strides = array<i32>} : memref<1x1x512xi32, #tpu.memory_space<vmem>>, vector<1x1x512xi32>,
    %mul3A_102 = arith.mulf %sub3A_89, %sub3A_89 : vector<512x128xf32>
    %reduce_sum3A_103 = arith.constant dense<0.000000e+00> : vector<128xf32>
    %reduce_sum3A_104 = vector.multi_reduction <add>, %mul3A_102, %reduce_sum3A_103 [0] : vector<512x128xf32> to vector<128xf32>
    %broadcast_in_dim3A_105 = vector.shape_cast %reduce_sum3A_104 : vector<128xf32> to vector<1x128xf32>
    %broadcast_in_dim3A_106 = vector.shape_cast %broadcast_in_dim3A_105 : vector<1x128xf32> to vector<1x1x128xf32>
    %eq3A_107 = arith.constant 0 : i32
    %eq3A_108 = arith.cmpi eq, %arg1, %eq3A_107 : i32
    %convert_element_type3A_109 = arith.extui %eq3A_108 : i1 to i32
    %cond3A = arith.constant 0 : i32
    %cond3A_110 = arith.cmpi ne, %convert_element_type3A_109, %cond3A : i32
    scf.if %cond3A_110 {
      %swap3A_115 = arith.constant 0 : index
      %swap3A_116 = arith.constant 0 : index
      %swap3A_117 = arith.constant 0 : index
      %swap3A_118 = vector.load %arg16[%swap3A_115, %swap3A_116, %swap3A_117] : memref<1x1x128xf32, #tpu.memory_space<vmem>>, vector<1x1x128xf32>
      tpu.vector_store %arg16[%swap3A_115, %swap3A_116, %swap3A_117], %broadcast_in_dim3A_106 {strides = array<i32>} : memref<1x1x128xf32, #tpu.memory_space<vmem>>, vector<1x1x128xf32>,
    } else {
    }
    %ne3A = arith.constant 0 : i32
    %ne3A_111 = arith.cmpi ne, %arg1, %ne3A : i32
    %convert_element_type3A_112 = arith.extui %ne3A_111 : i1 to i32
    %cond3A_113 = arith.constant 0 : i32
    %cond3A_114 = arith.cmpi ne, %convert_element_type3A_112, %cond3A_113 : i32
    scf.if %cond3A_114 {
      %get3A_115 = arith.constant 0 : index
      %get3A_116 = arith.constant 0 : index
      %get3A_117 = arith.constant 0 : index
      %get3A_118 = vector.load %arg16[%get3A_115, %get3A_116, %get3A_117] : memref<1x1x128xf32, #tpu.memory_space<vmem>>, vector<1x1x128xf32>
      %add3A_119 = arith.addf %get3A_118, %broadcast_in_dim3A_106 : vector<1x1x128xf32>
      %swap3A_120 = arith.constant 0 : index
      %swap3A_121 = arith.constant 0 : index
      %swap3A_122 = arith.constant 0 : index
      %swap3A_123 = vector.load %arg16[%swap3A_120, %swap3A_121, %swap3A_122] : memref<1x1x128xf32, #tpu.memory_space<vmem>>, vector<1x1x128xf32>
      tpu.vector_store %arg16[%swap3A_120, %swap3A_121, %swap3A_122], %add3A_119 {strides = array<i32>} : memref<1x1x128xf32, #tpu.memory_space<vmem>>, vector<1x1x128xf32>,
    } else {
    }
    return
  }
  func.func @transform_0(%arg0: i32, %arg1: i32, %arg2: memref<3xi32, #tpu.memory_space<smem>>, %arg3: memref<3xi32, #tpu.memory_space<smem>>) -> (i32, i32, i32, i32) {
    %get3A = arith.index_cast %arg0 : i32 to index
    %get3A_0 = memref.load %arg3[%get3A] : memref<3xi32, #tpu.memory_space<smem>>
    %c0_i32 = arith.constant 0 : i32
    %c0_i32_1 = arith.constant 0 : i32
    %c0_i32_2 = arith.constant 0 : i32
    return %arg1, %get3A_0, %c0_i32, %c0_i32_1 : i32, i32, i32, i32
  }
  func.func @transform_1(%arg0: i32, %arg1: i32, %arg2: memref<3xi32, #tpu.memory_space<smem>>, %arg3: memref<3xi32, #tpu.memory_space<smem>>) -> (i32, i32, i32) {
    %get3A = arith.index_cast %arg0 : i32 to index
    %get3A_0 = memref.load %arg2[%get3A] : memref<3xi32, #tpu.memory_space<smem>>
    %c0_i32 = arith.constant 0 : i32
    %c0_i32_1 = arith.constant 0 : i32
    return %get3A_0, %arg1, %c0_i32 : i32, i32, i32
  }
  func.func @transform_2(%arg0: i32, %arg1: i32, %arg2: memref<3xi32, #tpu.memory_space<smem>>, %arg3: memref<3xi32, #tpu.memory_space<smem>>) -> (i32, i32, i32) {
    %get3A = arith.index_cast %arg0 : i32 to index
    %get3A_0 = memref.load %arg2[%get3A] : memref<3xi32, #tpu.memory_space<smem>>
    %c0_i32 = arith.constant 0 : i32
    %c0_i32_1 = arith.constant 0 : i32
    %c0_i32_2 = arith.constant 0 : i32
    return %get3A_0, %c0_i32, %c0_i32_1 : i32, i32, i32
  }
  func.func @transform_3(%arg0: i32, %arg1: i32, %arg2: memref<3xi32, #tpu.memory_space<smem>>, %arg3: memref<3xi32, #tpu.memory_space<smem>>) -> (i32, i32) {
    %c0_i32 = arith.constant 0 : i32
    %c0_i32_0 = arith.constant 0 : i32
    %c0_i32_1 = arith.constant 0 : i32
    return %c0_i32, %c0_i32_0 : i32, i32
  }
  func.func @transform_4(%arg0: i32, %arg1: i32, %arg2: memref<3xi32, #tpu.memory_space<smem>>, %arg3: memref<3xi32, #tpu.memory_space<smem>>) -> (i32, i32) {
    %c0_i32 = arith.constant 0 : i32
    %c0_i32_0 = arith.constant 0 : i32
    %c0_i32_1 = arith.constant 0 : i32
    return %c0_i32, %c0_i32_0 : i32, i32
  }
  func.func @transform_5(%arg0: i32, %arg1: i32, %arg2: memref<3xi32, #tpu.memory_space<smem>>, %arg3: memref<3xi32, #tpu.memory_space<smem>>) -> (i32, i32) {
    %c0_i32 = arith.constant 0 : i32
    %c0_i32_0 = arith.constant 0 : i32
    %c0_i32_1 = arith.constant 0 : i32
    return %c0_i32, %c0_i32_0 : i32, i32
  }
  func.func @transform_6(%arg0: i32, %arg1: i32, %arg2: memref<3xi32, #tpu.memory_space<smem>>, %arg3: memref<3xi32, #tpu.memory_space<smem>>) -> (i32, i32) {
    %c0_i32 = arith.constant 0 : i32
    %c0_i32_0 = arith.constant 0 : i32
    %c0_i32_1 = arith.constant 0 : i32
    return %c0_i32, %c0_i32_0 : i32, i32
  }
  func.func @transform_7(%arg0: i32, %arg1: i32, %arg2: memref<3xi32, #tpu.memory_space<smem>>, %arg3: memref<3xi32, #tpu.memory_space<smem>>) -> (i32, i32) {
    %c0_i32 = arith.constant 0 : i32
    %c0_i32_0 = arith.constant 0 : i32
    %c0_i32_1 = arith.constant 0 : i32
    return %c0_i32, %c0_i32_0 : i32, i32
  }
  func.func @transform_8(%arg0: i32, %arg1: i32, %arg2: memref<3xi32, #tpu.memory_space<smem>>, %arg3: memref<3xi32, #tpu.memory_space<smem>>) -> (i32, i32) {
    %c0_i32 = arith.constant 0 : i32
    %c0_i32_0 = arith.constant 0 : i32
    %c0_i32_1 = arith.constant 0 : i32
    return %c0_i32, %c0_i32_0 : i32, i32
  }
  func.func @transform_9(%arg0: i32, %arg1: i32, %arg2: memref<3xi32, #tpu.memory_space<smem>>, %arg3: memref<3xi32, #tpu.memory_space<smem>>) -> (i32, i32) {
    %c0_i32 = arith.constant 0 : i32
    %c0_i32_0 = arith.constant 0 : i32
    %c0_i32_1 = arith.constant 0 : i32
    return %c0_i32, %c0_i32_0 : i32, i32
  }
  func.func @transform_10(%arg0: i32, %arg1: i32, %arg2: memref<3xi32, #tpu.memory_space<smem>>, %arg3: memref<3xi32, #tpu.memory_space<smem>>) -> (i32, i32, i32, i32) {
    %get3A = arith.index_cast %arg0 : i32 to index
    %get3A_0 = memref.load %arg2[%get3A] : memref<3xi32, #tpu.memory_space<smem>>
    %c0_i32 = arith.constant 0 : i32
    %c0_i32_1 = arith.constant 0 : i32
    %c0_i32_2 = arith.constant 0 : i32
    return %arg1, %get3A_0, %c0_i32, %c0_i32_1 : i32, i32, i32, i32
  }
  func.func @transform_11(%arg0: i32, %arg1: i32, %arg2: memref<3xi32, #tpu.memory_space<smem>>, %arg3: memref<3xi32, #tpu.memory_space<smem>>) -> (i32, i32, i32) {
    %mul3A = arith.constant 16 : i32
    %mul3A_0 = arith.muli %arg0, %mul3A : i32
    %add3A = arith.addi %mul3A_0, %arg1 : i32
    %c0_i32 = arith.constant 0 : i32
    %c0_i32_1 = arith.constant 0 : i32
    %c0_i32_2 = arith.constant 0 : i32
    return %add3A, %c0_i32, %c0_i32_1 : i32, i32, i32
  }
  func.func @transform_12(%arg0: i32, %arg1: i32, %arg2: memref<3xi32, #tpu.memory_space<smem>>, %arg3: memref<3xi32, #tpu.memory_space<smem>>) -> (i32, i32, i32) {
    %c0_i32 = arith.constant 0 : i32
    %c0_i32_0 = arith.constant 0 : i32
    %c0_i32_1 = arith.constant 0 : i32
    return %arg0, %c0_i32, %c0_i32_0 : i32, i32, i32
  }
}

module attributes {stable_mosaic.version = 14 : i64} {
  func.func @_wave_body(%arg0: i32, %arg1: i32, %arg2: memref<5xi32, #tpu.memory_space<smem>>, %arg3: memref<5xi32, #tpu.memory_space<smem>>, %arg4: memref<512x1x1x128xf32, #tpu.memory_space<vmem>>, %arg5: memref<1x512x128xf32, #tpu.memory_space<vmem>>, %arg6: memref<1x1024x128xf32, #tpu.memory_space<vmem>>, %arg7: memref<128x256xf32, #tpu.memory_space<vmem>>, %arg8: memref<128x256xf32, #tpu.memory_space<vmem>>, %arg9: memref<1x256xf32, #tpu.memory_space<vmem>>, %arg10: memref<1x256xf32, #tpu.memory_space<vmem>>, %arg11: memref<1x256xf32, #tpu.memory_space<vmem>>, %arg12: memref<256x128xf32, #tpu.memory_space<vmem>>, %arg13: memref<1x128xf32, #tpu.memory_space<vmem>>, %arg14: memref<512x1x1x128xf32, #tpu.memory_space<vmem>>, %arg15: memref<1x1x512xi32, #tpu.memory_space<vmem>>, %arg16: memref<1x1x128xf32, #tpu.memory_space<vmem>>) attributes {dimension_semantics = [#tpu.dimension_semantics<arbitrary>, #tpu.dimension_semantics<arbitrary>], iteration_bounds = array<i64: 5, 16>, scalar_prefetch = 2 : i64, scratch_operands = 0 : i64, tpu.core_type = #tpu.core_type<tc>, window_params = [{transform_indices = @transform_0, window_bounds = array<i64: 512, 1, 1, 128>}, {transform_indices = @transform_1, window_bounds = array<i64: 1, 512, 128>}, {transform_indices = @transform_2, window_bounds = array<i64: 1, 1024, 128>}, {pipeline_mode = #tpu.pipeline_mode<synchronous>, transform_indices = @transform_3, window_bounds = array<i64: 128, 256>}, {pipeline_mode = #tpu.pipeline_mode<synchronous>, transform_indices = @transform_4, window_bounds = array<i64: 128, 256>}, {pipeline_mode = #tpu.pipeline_mode<synchronous>, transform_indices = @transform_5, window_bounds = array<i64: 1, 256>}, {pipeline_mode = #tpu.pipeline_mode<synchronous>, transform_indices = @transform_6, window_bounds = array<i64: 1, 256>}, {pipeline_mode = #tpu.pipeline_mode<synchronous>, transform_indices = @transform_7, window_bounds = array<i64: 1, 256>}, {pipeline_mode = #tpu.pipeline_mode<synchronous>, transform_indices = @transform_8, window_bounds = array<i64: 256, 128>}, {pipeline_mode = #tpu.pipeline_mode<synchronous>, transform_indices = @transform_9, window_bounds = array<i64: 1, 128>}, {transform_indices = @transform_10, window_bounds = array<i64: 512, 1, 1, 128>}, {transform_indices = @transform_11, window_bounds = array<i64: 1, 1, 512>}, {transform_indices = @transform_12, window_bounds = array<i64: 1, 1, 128>}]} {
    %get3A = arith.constant 0 : index
    %get3A_0 = arith.constant 0 : index
    %get3A_1 = arith.constant 0 : index
    %get3A_2 = arith.constant 0 : index
    %get3A_3 = vector.load %arg4[%get3A, %get3A_0, %get3A_1, %get3A_2] : memref<512x1x1x128xf32, #tpu.memory_space<vmem>>, vector<512x1x1x128xf32>
    %get3A_4 = vector.shape_cast %get3A_3 : vector<512x1x1x128xf32> to vector<512x128xf32>
    %get3A_5 = arith.constant 0 : index
    %get3A_6 = arith.constant 0 : index
    %get3A_7 = vector.load %arg7[%get3A_5, %get3A_6] : memref<128x256xf32, #tpu.memory_space<vmem>>, vector<128x256xf32>
    %dot_general3A = arith.constant dense<0.000000e+00> : vector<512x256xf32>
    %dot_general3A_8 = tpu.matmul %get3A_4, %get3A_7, %dot_general3A {dimension_numbers = #tpu.dot_dimension_numbers<[1], [0], [0], [1], [0, 0, 1, 1], [], []>, transpose_lhs_hint = false} : vector<512x128xf32>, vector<128x256xf32>, vector<512x256xf32> -> vector<512x256xf32>
    %get3A_9 = arith.constant 0 : index
    %get3A_10 = arith.constant 0 : index
    %get3A_11 = arith.constant 0 : index
    %get3A_12 = vector.load %arg5[%get3A_9, %get3A_10, %get3A_11] : memref<1x512x128xf32, #tpu.memory_space<vmem>>, vector<1x512x128xf32>
    %get3A_13 = vector.shape_cast %get3A_12 : vector<1x512x128xf32> to vector<512x128xf32>
    %get3A_14 = arith.constant 0 : index
    %get3A_15 = arith.constant 0 : index
    %get3A_16 = vector.load %arg8[%get3A_14, %get3A_15] : memref<128x256xf32, #tpu.memory_space<vmem>>, vector<128x256xf32>
    %dot_general3A_17 = arith.constant dense<0.000000e+00> : vector<512x256xf32>
    %dot_general3A_18 = tpu.matmul %get3A_13, %get3A_16, %dot_general3A_17 {dimension_numbers = #tpu.dot_dimension_numbers<[1], [0], [0], [1], [0, 0, 1, 1], [], []>, transpose_lhs_hint = false} : vector<512x128xf32>, vector<128x256xf32>, vector<512x256xf32> -> vector<512x256xf32>
    %add3A = arith.addf %dot_general3A_8, %dot_general3A_18 : vector<512x256xf32>
    %get3A_19 = arith.constant 0 : index
    %get3A_20 = arith.constant 0 : index
    %get3A_21 = vector.load %arg9[%get3A_19, %get3A_20] : memref<1x256xf32, #tpu.memory_space<vmem>>, vector<1x256xf32>
    %add3A_22 = vector.broadcast %get3A_21 : vector<1x256xf32> to vector<512x256xf32>
    %add3A_23 = arith.addf %add3A, %add3A_22 : vector<512x256xf32>
    %reduce_sum3A = arith.constant dense<0.000000e+00> : vector<512xf32>
    %reduce_sum3A_24 = vector.multi_reduction <add>, %add3A_23, %reduce_sum3A [1] : vector<512x256xf32> to vector<512xf32>
    %broadcast_in_dim3A = vector.shape_cast %reduce_sum3A_24 : vector<512xf32> to vector<512x1xf32>
    %div3A = arith.constant 2.560000e+02 : f32
    %div3A_25 = vector.broadcast %div3A : f32 to vector<512x1xf32>
    %div3A_26 = arith.divf %broadcast_in_dim3A, %div3A_25 : vector<512x1xf32>
    %sub3A = vector.broadcast %div3A_26 : vector<512x1xf32> to vector<512x256xf32>
    %sub3A_27 = arith.subf %add3A_23, %sub3A : vector<512x256xf32>
    %integer_pow3A = arith.mulf %sub3A_27, %sub3A_27 : vector<512x256xf32>
    %reduce_sum3A_28 = arith.constant dense<0.000000e+00> : vector<512xf32>
    %reduce_sum3A_29 = vector.multi_reduction <add>, %integer_pow3A, %reduce_sum3A_28 [1] : vector<512x256xf32> to vector<512xf32>
    %broadcast_in_dim3A_30 = vector.shape_cast %reduce_sum3A_29 : vector<512xf32> to vector<512x1xf32>
    %div3A_31 = arith.constant 2.560000e+02 : f32
    %div3A_32 = vector.broadcast %div3A_31 : f32 to vector<512x1xf32>
    %div3A_33 = arith.divf %broadcast_in_dim3A_30, %div3A_32 : vector<512x1xf32>
    %sub3A_34 = vector.broadcast %div3A_26 : vector<512x1xf32> to vector<512x256xf32>
    %sub3A_35 = arith.subf %add3A_23, %sub3A_34 : vector<512x256xf32>
    %add3A_36 = arith.constant 9.99999974E-6 : f32
    %add3A_37 = vector.broadcast %add3A_36 : f32 to vector<512x1xf32>
    %add3A_38 = arith.addf %div3A_33, %add3A_37 : vector<512x1xf32>
    %sqrt3A = math.sqrt %add3A_38 : vector<512x1xf32>
    %div3A_39 = vector.broadcast %sqrt3A : vector<512x1xf32> to vector<512x256xf32>
    %div3A_40 = arith.divf %sub3A_35, %div3A_39 : vector<512x256xf32>
    %get3A_41 = arith.constant 0 : index
    %get3A_42 = arith.constant 0 : index
    %get3A_43 = vector.load %arg10[%get3A_41, %get3A_42] : memref<1x256xf32, #tpu.memory_space<vmem>>, vector<1x256xf32>
    %mul3A = vector.broadcast %get3A_43 : vector<1x256xf32> to vector<512x256xf32>
    %mul3A_44 = arith.mulf %div3A_40, %mul3A : vector<512x256xf32>
    %get3A_45 = arith.constant 0 : index
    %get3A_46 = arith.constant 0 : index
    %get3A_47 = vector.load %arg11[%get3A_45, %get3A_46] : memref<1x256xf32, #tpu.memory_space<vmem>>, vector<1x256xf32>
    %add3A_48 = vector.broadcast %get3A_47 : vector<1x256xf32> to vector<512x256xf32>
    %add3A_49 = arith.addf %mul3A_44, %add3A_48 : vector<512x256xf32>
    %max3A = arith.constant 0.000000e+00 : f32
    %max3A_50 = vector.broadcast %max3A : f32 to vector<512x256xf32>
    %max3A_51 = arith.maximumf %add3A_49, %max3A_50 : vector<512x256xf32>
    %get3A_52 = arith.constant 0 : index
    %get3A_53 = arith.constant 0 : index
    %get3A_54 = vector.load %arg12[%get3A_52, %get3A_53] : memref<256x128xf32, #tpu.memory_space<vmem>>, vector<256x128xf32>
    %dot_general3A_55 = arith.constant dense<0.000000e+00> : vector<512x128xf32>
    %dot_general3A_56 = tpu.matmul %max3A_51, %get3A_54, %dot_general3A_55 {dimension_numbers = #tpu.dot_dimension_numbers<[1], [0], [0], [1], [0, 0, 1, 1], [], []>, transpose_lhs_hint = false} : vector<512x256xf32>, vector<256x128xf32>, vector<512x128xf32> -> vector<512x128xf32>
    %get3A_57 = arith.constant 0 : index
    %get3A_58 = arith.constant 0 : index
    %get3A_59 = vector.load %arg13[%get3A_57, %get3A_58] : memref<1x128xf32, #tpu.memory_space<vmem>>, vector<1x128xf32>
    %add3A_60 = vector.broadcast %get3A_59 : vector<1x128xf32> to vector<512x128xf32>
    %add3A_61 = arith.addf %dot_general3A_56, %add3A_60 : vector<512x128xf32>
    %get3A_62 = arith.constant 0 : index
    %get3A_63 = arith.constant 0 : index
    %get3A_64 = arith.constant 0 : index
    %get3A_65 = vector.load %arg6[%get3A_62, %get3A_63, %get3A_64] : memref<1x1024x128xf32, #tpu.memory_space<vmem>>, vector<1x1024x128xf32>
    %get3A_66 = vector.shape_cast %get3A_65 : vector<1x1024x128xf32> to vector<1024x128xf32>
    %mul3A_67 = arith.mulf %add3A_61, %add3A_61 : vector<512x128xf32>
    %reduce_sum3A_68 = arith.constant dense<0.000000e+00> : vector<512xf32>
    %reduce_sum3A_69 = vector.multi_reduction <add>, %mul3A_67, %reduce_sum3A_68 [1] : vector<512x128xf32> to vector<512xf32>
    %broadcast_in_dim3A_70 = vector.shape_cast %reduce_sum3A_69 : vector<512xf32> to vector<512x1xf32>
    %mul3A_71 = arith.mulf %get3A_66, %get3A_66 : vector<1024x128xf32>
    %reduce_sum3A_72 = arith.constant dense<0.000000e+00> : vector<1024xf32>
    %reduce_sum3A_73 = vector.multi_reduction <add>, %mul3A_71, %reduce_sum3A_72 [1] : vector<1024x128xf32> to vector<1024xf32>
    %broadcast_in_dim3A_74 = vector.shape_cast %reduce_sum3A_73 : vector<1024xf32> to vector<1x1024xf32>
    %transpose3A = tpu.transpose %get3A_66, [1, 0] : vector<1024x128xf32> -> vector<128x1024xf32>
    %dot_general3A_75 = arith.constant dense<0.000000e+00> : vector<512x1024xf32>
    %dot_general3A_76 = tpu.matmul %add3A_61, %transpose3A, %dot_general3A_75 {dimension_numbers = #tpu.dot_dimension_numbers<[1], [0], [0], [1], [0, 0, 1, 1], [], []>, transpose_lhs_hint = false} : vector<512x128xf32>, vector<128x1024xf32>, vector<512x1024xf32> -> vector<512x1024xf32>
    %mul3A_77 = arith.constant 2.000000e+00 : f32
    %mul3A_78 = vector.broadcast %mul3A_77 : f32 to vector<512x1024xf32>
    %mul3A_79 = arith.mulf %mul3A_78, %dot_general3A_76 : vector<512x1024xf32>
    %sub3A_80 = vector.broadcast %broadcast_in_dim3A_70 : vector<512x1xf32> to vector<512x1024xf32>
    %sub3A_81 = arith.subf %sub3A_80, %mul3A_79 : vector<512x1024xf32>
    %add3A_82 = vector.broadcast %broadcast_in_dim3A_74 : vector<1x1024xf32> to vector<512x1024xf32>
    %add3A_83 = arith.addf %sub3A_81, %add3A_82 : vector<512x1024xf32>
    %argmin3A = tpu.reduce_index %add3A_83 {axis = 1 : i32, kind = #tpu.reduction_kind<arg_min>} : vector<512x1024xf32> -> vector<512xi32>
    %iota3A = tpu.iota {dimensions = array<i32: 1>} : vector<512x1024xi32>
    %broadcast_in_dim3A_84 = vector.shape_cast %argmin3A : vector<512xi32> to vector<512x1xi32>
    %eq3A = vector.broadcast %broadcast_in_dim3A_84 : vector<512x1xi32> to vector<512x1024xi32>
    %eq3A_85 = arith.cmpi eq, %iota3A, %eq3A : vector<512x1024xi32>
    %convert_element_type3A = arith.extui %eq3A_85 : vector<512x1024xi1> to vector<512x1024xi32>
    %convert_element_type3A_86 = arith.sitofp %convert_element_type3A : vector<512x1024xi32> to vector<512x1024xf32>
    %dot_general3A_87 = arith.constant dense<0.000000e+00> : vector<512x128xf32>
    %dot_general3A_88 = tpu.matmul %convert_element_type3A_86, %get3A_66, %dot_general3A_87 {dimension_numbers = #tpu.dot_dimension_numbers<[1], [0], [0], [1], [0, 0, 1, 1], [], []>, transpose_lhs_hint = false} : vector<512x1024xf32>, vector<1024x128xf32>, vector<512x128xf32> -> vector<512x128xf32>
    %sub3A_89 = arith.subf %dot_general3A_88, %add3A_61 : vector<512x128xf32>
    %swap3A = arith.constant 0 : index
    %swap3A_90 = arith.constant 0 : index
    %swap3A_91 = arith.constant 0 : index
    %swap3A_92 = arith.constant 0 : index
    %swap3A_93 = vector.load %arg14[%swap3A, %swap3A_90, %swap3A_91, %swap3A_92] : memref<512x1x1x128xf32, #tpu.memory_space<vmem>>, vector<512x1x1x128xf32>
    %swap3A_94 = vector.shape_cast %swap3A_93 : vector<512x1x1x128xf32> to vector<512x128xf32>
    %swap3A_95 = vector.shape_cast %dot_general3A_88 : vector<512x128xf32> to vector<512x1x1x128xf32>
    tpu.vector_store %arg14[%swap3A, %swap3A_90, %swap3A_91, %swap3A_92], %swap3A_95 {strides = array<i32>} : memref<512x1x1x128xf32, #tpu.memory_space<vmem>>, vector<512x1x1x128xf32>,
    %swap3A_96 = arith.constant 0 : index
    %swap3A_97 = arith.constant 0 : index
    %swap3A_98 = arith.constant 0 : index
    %swap3A_99 = vector.load %arg15[%swap3A_96, %swap3A_97, %swap3A_98] : memref<1x1x512xi32, #tpu.memory_space<vmem>>, vector<1x1x512xi32>
    %swap3A_100 = vector.shape_cast %swap3A_99 : vector<1x1x512xi32> to vector<512xi32>
    %swap3A_101 = vector.shape_cast %argmin3A : vector<512xi32> to vector<1x1x512xi32>
    tpu.vector_store %arg15[%swap3A_96, %swap3A_97, %swap3A_98], %swap3A_101 {strides = array<i32>} : memref<1x1x512xi32, #tpu.memory_space<vmem>>, vector<1x1x512xi32>,
    %mul3A_102 = arith.mulf %sub3A_89, %sub3A_89 : vector<512x128xf32>
    %reduce_sum3A_103 = arith.constant dense<0.000000e+00> : vector<128xf32>
    %reduce_sum3A_104 = vector.multi_reduction <add>, %mul3A_102, %reduce_sum3A_103 [0] : vector<512x128xf32> to vector<128xf32>
    %broadcast_in_dim3A_105 = vector.shape_cast %reduce_sum3A_104 : vector<128xf32> to vector<1x128xf32>
    %broadcast_in_dim3A_106 = vector.shape_cast %broadcast_in_dim3A_105 : vector<1x128xf32> to vector<1x1x128xf32>
    %eq3A_107 = arith.constant 0 : i32
    %eq3A_108 = arith.cmpi eq, %arg1, %eq3A_107 : i32
    %convert_element_type3A_109 = arith.extui %eq3A_108 : i1 to i32
    %cond3A = arith.constant 0 : i32
    %cond3A_110 = arith.cmpi ne, %convert_element_type3A_109, %cond3A : i32
    scf.if %cond3A_110 {
      %swap3A_115 = arith.constant 0 : index
      %swap3A_116 = arith.constant 0 : index
      %swap3A_117 = arith.constant 0 : index
      %swap3A_118 = vector.load %arg16[%swap3A_115, %swap3A_116, %swap3A_117] : memref<1x1x128xf32, #tpu.memory_space<vmem>>, vector<1x1x128xf32>
      tpu.vector_store %arg16[%swap3A_115, %swap3A_116, %swap3A_117], %broadcast_in_dim3A_106 {strides = array<i32>} : memref<1x1x128xf32, #tpu.memory_space<vmem>>, vector<1x1x128xf32>,
    } else {
    }
    %ne3A = arith.constant 0 : i32
    %ne3A_111 = arith.cmpi ne, %arg1, %ne3A : i32
    %convert_element_type3A_112 = arith.extui %ne3A_111 : i1 to i32
    %cond3A_113 = arith.constant 0 : i32
    %cond3A_114 = arith.cmpi ne, %convert_element_type3A_112, %cond3A_113 : i32
    scf.if %cond3A_114 {
      %get3A_115 = arith.constant 0 : index
      %get3A_116 = arith.constant 0 : index
      %get3A_117 = arith.constant 0 : index
      %get3A_118 = vector.load %arg16[%get3A_115, %get3A_116, %get3A_117] : memref<1x1x128xf32, #tpu.memory_space<vmem>>, vector<1x1x128xf32>
      %add3A_119 = arith.addf %get3A_118, %broadcast_in_dim3A_106 : vector<1x1x128xf32>
      %swap3A_120 = arith.constant 0 : index
      %swap3A_121 = arith.constant 0 : index
      %swap3A_122 = arith.constant 0 : index
      %swap3A_123 = vector.load %arg16[%swap3A_120, %swap3A_121, %swap3A_122] : memref<1x1x128xf32, #tpu.memory_space<vmem>>, vector<1x1x128xf32>
      tpu.vector_store %arg16[%swap3A_120, %swap3A_121, %swap3A_122], %add3A_119 {strides = array<i32>} : memref<1x1x128xf32, #tpu.memory_space<vmem>>, vector<1x1x128xf32>,
    } else {
    }
    return
  }
  func.func @transform_0(%arg0: i32, %arg1: i32, %arg2: memref<5xi32, #tpu.memory_space<smem>>, %arg3: memref<5xi32, #tpu.memory_space<smem>>) -> (i32, i32, i32, i32) {
    %get3A = arith.index_cast %arg0 : i32 to index
    %get3A_0 = memref.load %arg3[%get3A] : memref<5xi32, #tpu.memory_space<smem>>
    %c0_i32 = arith.constant 0 : i32
    %c0_i32_1 = arith.constant 0 : i32
    %c0_i32_2 = arith.constant 0 : i32
    return %arg1, %get3A_0, %c0_i32, %c0_i32_1 : i32, i32, i32, i32
  }
  func.func @transform_1(%arg0: i32, %arg1: i32, %arg2: memref<5xi32, #tpu.memory_space<smem>>, %arg3: memref<5xi32, #tpu.memory_space<smem>>) -> (i32, i32, i32) {
    %get3A = arith.index_cast %arg0 : i32 to index
    %get3A_0 = memref.load %arg2[%get3A] : memref<5xi32, #tpu.memory_space<smem>>
    %c0_i32 = arith.constant 0 : i32
    %c0_i32_1 = arith.constant 0 : i32
    return %get3A_0, %arg1, %c0_i32 : i32, i32, i32
  }
  func.func @transform_2(%arg0: i32, %arg1: i32, %arg2: memref<5xi32, #tpu.memory_space<smem>>, %arg3: memref<5xi32, #tpu.memory_space<smem>>) -> (i32, i32, i32) {
    %get3A = arith.index_cast %arg0 : i32 to index
    %get3A_0 = memref.load %arg2[%get3A] : memref<5xi32, #tpu.memory_space<smem>>
    %c0_i32 = arith.constant 0 : i32
    %c0_i32_1 = arith.constant 0 : i32
    %c0_i32_2 = arith.constant 0 : i32
    return %get3A_0, %c0_i32, %c0_i32_1 : i32, i32, i32
  }
  func.func @transform_3(%arg0: i32, %arg1: i32, %arg2: memref<5xi32, #tpu.memory_space<smem>>, %arg3: memref<5xi32, #tpu.memory_space<smem>>) -> (i32, i32) {
    %c0_i32 = arith.constant 0 : i32
    %c0_i32_0 = arith.constant 0 : i32
    %c0_i32_1 = arith.constant 0 : i32
    return %c0_i32, %c0_i32_0 : i32, i32
  }
  func.func @transform_4(%arg0: i32, %arg1: i32, %arg2: memref<5xi32, #tpu.memory_space<smem>>, %arg3: memref<5xi32, #tpu.memory_space<smem>>) -> (i32, i32) {
    %c0_i32 = arith.constant 0 : i32
    %c0_i32_0 = arith.constant 0 : i32
    %c0_i32_1 = arith.constant 0 : i32
    return %c0_i32, %c0_i32_0 : i32, i32
  }
  func.func @transform_5(%arg0: i32, %arg1: i32, %arg2: memref<5xi32, #tpu.memory_space<smem>>, %arg3: memref<5xi32, #tpu.memory_space<smem>>) -> (i32, i32) {
    %c0_i32 = arith.constant 0 : i32
    %c0_i32_0 = arith.constant 0 : i32
    %c0_i32_1 = arith.constant 0 : i32
    return %c0_i32, %c0_i32_0 : i32, i32
  }
  func.func @transform_6(%arg0: i32, %arg1: i32, %arg2: memref<5xi32, #tpu.memory_space<smem>>, %arg3: memref<5xi32, #tpu.memory_space<smem>>) -> (i32, i32) {
    %c0_i32 = arith.constant 0 : i32
    %c0_i32_0 = arith.constant 0 : i32
    %c0_i32_1 = arith.constant 0 : i32
    return %c0_i32, %c0_i32_0 : i32, i32
  }
  func.func @transform_7(%arg0: i32, %arg1: i32, %arg2: memref<5xi32, #tpu.memory_space<smem>>, %arg3: memref<5xi32, #tpu.memory_space<smem>>) -> (i32, i32) {
    %c0_i32 = arith.constant 0 : i32
    %c0_i32_0 = arith.constant 0 : i32
    %c0_i32_1 = arith.constant 0 : i32
    return %c0_i32, %c0_i32_0 : i32, i32
  }
  func.func @transform_8(%arg0: i32, %arg1: i32, %arg2: memref<5xi32, #tpu.memory_space<smem>>, %arg3: memref<5xi32, #tpu.memory_space<smem>>) -> (i32, i32) {
    %c0_i32 = arith.constant 0 : i32
    %c0_i32_0 = arith.constant 0 : i32
    %c0_i32_1 = arith.constant 0 : i32
    return %c0_i32, %c0_i32_0 : i32, i32
  }
  func.func @transform_9(%arg0: i32, %arg1: i32, %arg2: memref<5xi32, #tpu.memory_space<smem>>, %arg3: memref<5xi32, #tpu.memory_space<smem>>) -> (i32, i32) {
    %c0_i32 = arith.constant 0 : i32
    %c0_i32_0 = arith.constant 0 : i32
    %c0_i32_1 = arith.constant 0 : i32
    return %c0_i32, %c0_i32_0 : i32, i32
  }
  func.func @transform_10(%arg0: i32, %arg1: i32, %arg2: memref<5xi32, #tpu.memory_space<smem>>, %arg3: memref<5xi32, #tpu.memory_space<smem>>) -> (i32, i32, i32, i32) {
    %get3A = arith.index_cast %arg0 : i32 to index
    %get3A_0 = memref.load %arg2[%get3A] : memref<5xi32, #tpu.memory_space<smem>>
    %c0_i32 = arith.constant 0 : i32
    %c0_i32_1 = arith.constant 0 : i32
    %c0_i32_2 = arith.constant 0 : i32
    return %arg1, %get3A_0, %c0_i32, %c0_i32_1 : i32, i32, i32, i32
  }
  func.func @transform_11(%arg0: i32, %arg1: i32, %arg2: memref<5xi32, #tpu.memory_space<smem>>, %arg3: memref<5xi32, #tpu.memory_space<smem>>) -> (i32, i32, i32) {
    %mul3A = arith.constant 16 : i32
    %mul3A_0 = arith.muli %arg0, %mul3A : i32
    %add3A = arith.addi %mul3A_0, %arg1 : i32
    %c0_i32 = arith.constant 0 : i32
    %c0_i32_1 = arith.constant 0 : i32
    %c0_i32_2 = arith.constant 0 : i32
    return %add3A, %c0_i32, %c0_i32_1 : i32, i32, i32
  }
  func.func @transform_12(%arg0: i32, %arg1: i32, %arg2: memref<5xi32, #tpu.memory_space<smem>>, %arg3: memref<5xi32, #tpu.memory_space<smem>>) -> (i32, i32, i32) {
    %c0_i32 = arith.constant 0 : i32
    %c0_i32_0 = arith.constant 0 : i32
    %c0_i32_1 = arith.constant 0 : i32
    return %arg0, %c0_i32, %c0_i32_0 : i32, i32, i32
  }
}

module attributes {stable_mosaic.version = 14 : i64} {
  func.func @_wave_body(%arg0: i32, %arg1: i32, %arg2: memref<2xi32, #tpu.memory_space<smem>>, %arg3: memref<2xi32, #tpu.memory_space<smem>>, %arg4: memref<512x1x1x128xf32, #tpu.memory_space<vmem>>, %arg5: memref<1x512x128xf32, #tpu.memory_space<vmem>>, %arg6: memref<1x1024x128xf32, #tpu.memory_space<vmem>>, %arg7: memref<128x256xf32, #tpu.memory_space<vmem>>, %arg8: memref<128x256xf32, #tpu.memory_space<vmem>>, %arg9: memref<1x256xf32, #tpu.memory_space<vmem>>, %arg10: memref<1x256xf32, #tpu.memory_space<vmem>>, %arg11: memref<1x256xf32, #tpu.memory_space<vmem>>, %arg12: memref<256x128xf32, #tpu.memory_space<vmem>>, %arg13: memref<1x128xf32, #tpu.memory_space<vmem>>, %arg14: memref<512x1x1x128xf32, #tpu.memory_space<vmem>>, %arg15: memref<1x1x512xi32, #tpu.memory_space<vmem>>, %arg16: memref<1x1x128xf32, #tpu.memory_space<vmem>>) attributes {dimension_semantics = [#tpu.dimension_semantics<arbitrary>, #tpu.dimension_semantics<arbitrary>], iteration_bounds = array<i64: 2, 16>, scalar_prefetch = 2 : i64, scratch_operands = 0 : i64, tpu.core_type = #tpu.core_type<tc>, window_params = [{transform_indices = @transform_0, window_bounds = array<i64: 512, 1, 1, 128>}, {transform_indices = @transform_1, window_bounds = array<i64: 1, 512, 128>}, {transform_indices = @transform_2, window_bounds = array<i64: 1, 1024, 128>}, {pipeline_mode = #tpu.pipeline_mode<synchronous>, transform_indices = @transform_3, window_bounds = array<i64: 128, 256>}, {pipeline_mode = #tpu.pipeline_mode<synchronous>, transform_indices = @transform_4, window_bounds = array<i64: 128, 256>}, {pipeline_mode = #tpu.pipeline_mode<synchronous>, transform_indices = @transform_5, window_bounds = array<i64: 1, 256>}, {pipeline_mode = #tpu.pipeline_mode<synchronous>, transform_indices = @transform_6, window_bounds = array<i64: 1, 256>}, {pipeline_mode = #tpu.pipeline_mode<synchronous>, transform_indices = @transform_7, window_bounds = array<i64: 1, 256>}, {pipeline_mode = #tpu.pipeline_mode<synchronous>, transform_indices = @transform_8, window_bounds = array<i64: 256, 128>}, {pipeline_mode = #tpu.pipeline_mode<synchronous>, transform_indices = @transform_9, window_bounds = array<i64: 1, 128>}, {transform_indices = @transform_10, window_bounds = array<i64: 512, 1, 1, 128>}, {transform_indices = @transform_11, window_bounds = array<i64: 1, 1, 512>}, {transform_indices = @transform_12, window_bounds = array<i64: 1, 1, 128>}]} {
    %get3A = arith.constant 0 : index
    %get3A_0 = arith.constant 0 : index
    %get3A_1 = arith.constant 0 : index
    %get3A_2 = arith.constant 0 : index
    %get3A_3 = vector.load %arg4[%get3A, %get3A_0, %get3A_1, %get3A_2] : memref<512x1x1x128xf32, #tpu.memory_space<vmem>>, vector<512x1x1x128xf32>
    %get3A_4 = vector.shape_cast %get3A_3 : vector<512x1x1x128xf32> to vector<512x128xf32>
    %get3A_5 = arith.constant 0 : index
    %get3A_6 = arith.constant 0 : index
    %get3A_7 = vector.load %arg7[%get3A_5, %get3A_6] : memref<128x256xf32, #tpu.memory_space<vmem>>, vector<128x256xf32>
    %dot_general3A = arith.constant dense<0.000000e+00> : vector<512x256xf32>
    %dot_general3A_8 = tpu.matmul %get3A_4, %get3A_7, %dot_general3A {dimension_numbers = #tpu.dot_dimension_numbers<[1], [0], [0], [1], [0, 0, 1, 1], [], []>, transpose_lhs_hint = false} : vector<512x128xf32>, vector<128x256xf32>, vector<512x256xf32> -> vector<512x256xf32>
    %get3A_9 = arith.constant 0 : index
    %get3A_10 = arith.constant 0 : index
    %get3A_11 = arith.constant 0 : index
    %get3A_12 = vector.load %arg5[%get3A_9, %get3A_10, %get3A_11] : memref<1x512x128xf32, #tpu.memory_space<vmem>>, vector<1x512x128xf32>
    %get3A_13 = vector.shape_cast %get3A_12 : vector<1x512x128xf32> to vector<512x128xf32>
    %get3A_14 = arith.constant 0 : index
    %get3A_15 = arith.constant 0 : index
    %get3A_16 = vector.load %arg8[%get3A_14, %get3A_15] : memref<128x256xf32, #tpu.memory_space<vmem>>, vector<128x256xf32>
    %dot_general3A_17 = arith.constant dense<0.000000e+00> : vector<512x256xf32>
    %dot_general3A_18 = tpu.matmul %get3A_13, %get3A_16, %dot_general3A_17 {dimension_numbers = #tpu.dot_dimension_numbers<[1], [0], [0], [1], [0, 0, 1, 1], [], []>, transpose_lhs_hint = false} : vector<512x128xf32>, vector<128x256xf32>, vector<512x256xf32> -> vector<512x256xf32>
    %add3A = arith.addf %dot_general3A_8, %dot_general3A_18 : vector<512x256xf32>
    %get3A_19 = arith.constant 0 : index
    %get3A_20 = arith.constant 0 : index
    %get3A_21 = vector.load %arg9[%get3A_19, %get3A_20] : memref<1x256xf32, #tpu.memory_space<vmem>>, vector<1x256xf32>
    %add3A_22 = vector.broadcast %get3A_21 : vector<1x256xf32> to vector<512x256xf32>
    %add3A_23 = arith.addf %add3A, %add3A_22 : vector<512x256xf32>
    %reduce_sum3A = arith.constant dense<0.000000e+00> : vector<512xf32>
    %reduce_sum3A_24 = vector.multi_reduction <add>, %add3A_23, %reduce_sum3A [1] : vector<512x256xf32> to vector<512xf32>
    %broadcast_in_dim3A = vector.shape_cast %reduce_sum3A_24 : vector<512xf32> to vector<512x1xf32>
    %div3A = arith.constant 2.560000e+02 : f32
    %div3A_25 = vector.broadcast %div3A : f32 to vector<512x1xf32>
    %div3A_26 = arith.divf %broadcast_in_dim3A, %div3A_25 : vector<512x1xf32>
    %sub3A = vector.broadcast %div3A_26 : vector<512x1xf32> to vector<512x256xf32>
    %sub3A_27 = arith.subf %add3A_23, %sub3A : vector<512x256xf32>
    %integer_pow3A = arith.mulf %sub3A_27, %sub3A_27 : vector<512x256xf32>
    %reduce_sum3A_28 = arith.constant dense<0.000000e+00> : vector<512xf32>
    %reduce_sum3A_29 = vector.multi_reduction <add>, %integer_pow3A, %reduce_sum3A_28 [1] : vector<512x256xf32> to vector<512xf32>
    %broadcast_in_dim3A_30 = vector.shape_cast %reduce_sum3A_29 : vector<512xf32> to vector<512x1xf32>
    %div3A_31 = arith.constant 2.560000e+02 : f32
    %div3A_32 = vector.broadcast %div3A_31 : f32 to vector<512x1xf32>
    %div3A_33 = arith.divf %broadcast_in_dim3A_30, %div3A_32 : vector<512x1xf32>
    %sub3A_34 = vector.broadcast %div3A_26 : vector<512x1xf32> to vector<512x256xf32>
    %sub3A_35 = arith.subf %add3A_23, %sub3A_34 : vector<512x256xf32>
    %add3A_36 = arith.constant 9.99999974E-6 : f32
    %add3A_37 = vector.broadcast %add3A_36 : f32 to vector<512x1xf32>
    %add3A_38 = arith.addf %div3A_33, %add3A_37 : vector<512x1xf32>
    %sqrt3A = math.sqrt %add3A_38 : vector<512x1xf32>
    %div3A_39 = vector.broadcast %sqrt3A : vector<512x1xf32> to vector<512x256xf32>
    %div3A_40 = arith.divf %sub3A_35, %div3A_39 : vector<512x256xf32>
    %get3A_41 = arith.constant 0 : index
    %get3A_42 = arith.constant 0 : index
    %get3A_43 = vector.load %arg10[%get3A_41, %get3A_42] : memref<1x256xf32, #tpu.memory_space<vmem>>, vector<1x256xf32>
    %mul3A = vector.broadcast %get3A_43 : vector<1x256xf32> to vector<512x256xf32>
    %mul3A_44 = arith.mulf %div3A_40, %mul3A : vector<512x256xf32>
    %get3A_45 = arith.constant 0 : index
    %get3A_46 = arith.constant 0 : index
    %get3A_47 = vector.load %arg11[%get3A_45, %get3A_46] : memref<1x256xf32, #tpu.memory_space<vmem>>, vector<1x256xf32>
    %add3A_48 = vector.broadcast %get3A_47 : vector<1x256xf32> to vector<512x256xf32>
    %add3A_49 = arith.addf %mul3A_44, %add3A_48 : vector<512x256xf32>
    %max3A = arith.constant 0.000000e+00 : f32
    %max3A_50 = vector.broadcast %max3A : f32 to vector<512x256xf32>
    %max3A_51 = arith.maximumf %add3A_49, %max3A_50 : vector<512x256xf32>
    %get3A_52 = arith.constant 0 : index
    %get3A_53 = arith.constant 0 : index
    %get3A_54 = vector.load %arg12[%get3A_52, %get3A_53] : memref<256x128xf32, #tpu.memory_space<vmem>>, vector<256x128xf32>
    %dot_general3A_55 = arith.constant dense<0.000000e+00> : vector<512x128xf32>
    %dot_general3A_56 = tpu.matmul %max3A_51, %get3A_54, %dot_general3A_55 {dimension_numbers = #tpu.dot_dimension_numbers<[1], [0], [0], [1], [0, 0, 1, 1], [], []>, transpose_lhs_hint = false} : vector<512x256xf32>, vector<256x128xf32>, vector<512x128xf32> -> vector<512x128xf32>
    %get3A_57 = arith.constant 0 : index
    %get3A_58 = arith.constant 0 : index
    %get3A_59 = vector.load %arg13[%get3A_57, %get3A_58] : memref<1x128xf32, #tpu.memory_space<vmem>>, vector<1x128xf32>
    %add3A_60 = vector.broadcast %get3A_59 : vector<1x128xf32> to vector<512x128xf32>
    %add3A_61 = arith.addf %dot_general3A_56, %add3A_60 : vector<512x128xf32>
    %get3A_62 = arith.constant 0 : index
    %get3A_63 = arith.constant 0 : index
    %get3A_64 = arith.constant 0 : index
    %get3A_65 = vector.load %arg6[%get3A_62, %get3A_63, %get3A_64] : memref<1x1024x128xf32, #tpu.memory_space<vmem>>, vector<1x1024x128xf32>
    %get3A_66 = vector.shape_cast %get3A_65 : vector<1x1024x128xf32> to vector<1024x128xf32>
    %mul3A_67 = arith.mulf %add3A_61, %add3A_61 : vector<512x128xf32>
    %reduce_sum3A_68 = arith.constant dense<0.000000e+00> : vector<512xf32>
    %reduce_sum3A_69 = vector.multi_reduction <add>, %mul3A_67, %reduce_sum3A_68 [1] : vector<512x128xf32> to vector<512xf32>
    %broadcast_in_dim3A_70 = vector.shape_cast %reduce_sum3A_69 : vector<512xf32> to vector<512x1xf32>
    %mul3A_71 = arith.mulf %get3A_66, %get3A_66 : vector<1024x128xf32>
    %reduce_sum3A_72 = arith.constant dense<0.000000e+00> : vector<1024xf32>
    %reduce_sum3A_73 = vector.multi_reduction <add>, %mul3A_71, %reduce_sum3A_72 [1] : vector<1024x128xf32> to vector<1024xf32>
    %broadcast_in_dim3A_74 = vector.shape_cast %reduce_sum3A_73 : vector<1024xf32> to vector<1x1024xf32>
    %transpose3A = tpu.transpose %get3A_66, [1, 0] : vector<1024x128xf32> -> vector<128x1024xf32>
    %dot_general3A_75 = arith.constant dense<0.000000e+00> : vector<512x1024xf32>
    %dot_general3A_76 = tpu.matmul %add3A_61, %transpose3A, %dot_general3A_75 {dimension_numbers = #tpu.dot_dimension_numbers<[1], [0], [0], [1], [0, 0, 1, 1], [], []>, transpose_lhs_hint = false} : vector<512x128xf32>, vector<128x1024xf32>, vector<512x1024xf32> -> vector<512x1024xf32>
    %mul3A_77 = arith.constant 2.000000e+00 : f32
    %mul3A_78 = vector.broadcast %mul3A_77 : f32 to vector<512x1024xf32>
    %mul3A_79 = arith.mulf %mul3A_78, %dot_general3A_76 : vector<512x1024xf32>
    %sub3A_80 = vector.broadcast %broadcast_in_dim3A_70 : vector<512x1xf32> to vector<512x1024xf32>
    %sub3A_81 = arith.subf %sub3A_80, %mul3A_79 : vector<512x1024xf32>
    %add3A_82 = vector.broadcast %broadcast_in_dim3A_74 : vector<1x1024xf32> to vector<512x1024xf32>
    %add3A_83 = arith.addf %sub3A_81, %add3A_82 : vector<512x1024xf32>
    %argmin3A = tpu.reduce_index %add3A_83 {axis = 1 : i32, kind = #tpu.reduction_kind<arg_min>} : vector<512x1024xf32> -> vector<512xi32>
    %iota3A = tpu.iota {dimensions = array<i32: 1>} : vector<512x1024xi32>
    %broadcast_in_dim3A_84 = vector.shape_cast %argmin3A : vector<512xi32> to vector<512x1xi32>
    %eq3A = vector.broadcast %broadcast_in_dim3A_84 : vector<512x1xi32> to vector<512x1024xi32>
    %eq3A_85 = arith.cmpi eq, %iota3A, %eq3A : vector<512x1024xi32>
    %convert_element_type3A = arith.extui %eq3A_85 : vector<512x1024xi1> to vector<512x1024xi32>
    %convert_element_type3A_86 = arith.sitofp %convert_element_type3A : vector<512x1024xi32> to vector<512x1024xf32>
    %dot_general3A_87 = arith.constant dense<0.000000e+00> : vector<512x128xf32>
    %dot_general3A_88 = tpu.matmul %convert_element_type3A_86, %get3A_66, %dot_general3A_87 {dimension_numbers = #tpu.dot_dimension_numbers<[1], [0], [0], [1], [0, 0, 1, 1], [], []>, transpose_lhs_hint = false} : vector<512x1024xf32>, vector<1024x128xf32>, vector<512x128xf32> -> vector<512x128xf32>
    %sub3A_89 = arith.subf %dot_general3A_88, %add3A_61 : vector<512x128xf32>
    %swap3A = arith.constant 0 : index
    %swap3A_90 = arith.constant 0 : index
    %swap3A_91 = arith.constant 0 : index
    %swap3A_92 = arith.constant 0 : index
    %swap3A_93 = vector.load %arg14[%swap3A, %swap3A_90, %swap3A_91, %swap3A_92] : memref<512x1x1x128xf32, #tpu.memory_space<vmem>>, vector<512x1x1x128xf32>
    %swap3A_94 = vector.shape_cast %swap3A_93 : vector<512x1x1x128xf32> to vector<512x128xf32>
    %swap3A_95 = vector.shape_cast %dot_general3A_88 : vector<512x128xf32> to vector<512x1x1x128xf32>
    tpu.vector_store %arg14[%swap3A, %swap3A_90, %swap3A_91, %swap3A_92], %swap3A_95 {strides = array<i32>} : memref<512x1x1x128xf32, #tpu.memory_space<vmem>>, vector<512x1x1x128xf32>,
    %swap3A_96 = arith.constant 0 : index
    %swap3A_97 = arith.constant 0 : index
    %swap3A_98 = arith.constant 0 : index
    %swap3A_99 = vector.load %arg15[%swap3A_96, %swap3A_97, %swap3A_98] : memref<1x1x512xi32, #tpu.memory_space<vmem>>, vector<1x1x512xi32>
    %swap3A_100 = vector.shape_cast %swap3A_99 : vector<1x1x512xi32> to vector<512xi32>
    %swap3A_101 = vector.shape_cast %argmin3A : vector<512xi32> to vector<1x1x512xi32>
    tpu.vector_store %arg15[%swap3A_96, %swap3A_97, %swap3A_98], %swap3A_101 {strides = array<i32>} : memref<1x1x512xi32, #tpu.memory_space<vmem>>, vector<1x1x512xi32>,
    %mul3A_102 = arith.mulf %sub3A_89, %sub3A_89 : vector<512x128xf32>
    %reduce_sum3A_103 = arith.constant dense<0.000000e+00> : vector<128xf32>
    %reduce_sum3A_104 = vector.multi_reduction <add>, %mul3A_102, %reduce_sum3A_103 [0] : vector<512x128xf32> to vector<128xf32>
    %broadcast_in_dim3A_105 = vector.shape_cast %reduce_sum3A_104 : vector<128xf32> to vector<1x128xf32>
    %broadcast_in_dim3A_106 = vector.shape_cast %broadcast_in_dim3A_105 : vector<1x128xf32> to vector<1x1x128xf32>
    %eq3A_107 = arith.constant 0 : i32
    %eq3A_108 = arith.cmpi eq, %arg1, %eq3A_107 : i32
    %convert_element_type3A_109 = arith.extui %eq3A_108 : i1 to i32
    %cond3A = arith.constant 0 : i32
    %cond3A_110 = arith.cmpi ne, %convert_element_type3A_109, %cond3A : i32
    scf.if %cond3A_110 {
      %swap3A_115 = arith.constant 0 : index
      %swap3A_116 = arith.constant 0 : index
      %swap3A_117 = arith.constant 0 : index
      %swap3A_118 = vector.load %arg16[%swap3A_115, %swap3A_116, %swap3A_117] : memref<1x1x128xf32, #tpu.memory_space<vmem>>, vector<1x1x128xf32>
      tpu.vector_store %arg16[%swap3A_115, %swap3A_116, %swap3A_117], %broadcast_in_dim3A_106 {strides = array<i32>} : memref<1x1x128xf32, #tpu.memory_space<vmem>>, vector<1x1x128xf32>,
    } else {
    }
    %ne3A = arith.constant 0 : i32
    %ne3A_111 = arith.cmpi ne, %arg1, %ne3A : i32
    %convert_element_type3A_112 = arith.extui %ne3A_111 : i1 to i32
    %cond3A_113 = arith.constant 0 : i32
    %cond3A_114 = arith.cmpi ne, %convert_element_type3A_112, %cond3A_113 : i32
    scf.if %cond3A_114 {
      %get3A_115 = arith.constant 0 : index
      %get3A_116 = arith.constant 0 : index
      %get3A_117 = arith.constant 0 : index
      %get3A_118 = vector.load %arg16[%get3A_115, %get3A_116, %get3A_117] : memref<1x1x128xf32, #tpu.memory_space<vmem>>, vector<1x1x128xf32>
      %add3A_119 = arith.addf %get3A_118, %broadcast_in_dim3A_106 : vector<1x1x128xf32>
      %swap3A_120 = arith.constant 0 : index
      %swap3A_121 = arith.constant 0 : index
      %swap3A_122 = arith.constant 0 : index
      %swap3A_123 = vector.load %arg16[%swap3A_120, %swap3A_121, %swap3A_122] : memref<1x1x128xf32, #tpu.memory_space<vmem>>, vector<1x1x128xf32>
      tpu.vector_store %arg16[%swap3A_120, %swap3A_121, %swap3A_122], %add3A_119 {strides = array<i32>} : memref<1x1x128xf32, #tpu.memory_space<vmem>>, vector<1x1x128xf32>,
    } else {
    }
    return
  }
  func.func @transform_0(%arg0: i32, %arg1: i32, %arg2: memref<2xi32, #tpu.memory_space<smem>>, %arg3: memref<2xi32, #tpu.memory_space<smem>>) -> (i32, i32, i32, i32) {
    %get3A = arith.index_cast %arg0 : i32 to index
    %get3A_0 = memref.load %arg3[%get3A] : memref<2xi32, #tpu.memory_space<smem>>
    %c0_i32 = arith.constant 0 : i32
    %c0_i32_1 = arith.constant 0 : i32
    %c0_i32_2 = arith.constant 0 : i32
    return %arg1, %get3A_0, %c0_i32, %c0_i32_1 : i32, i32, i32, i32
  }
  func.func @transform_1(%arg0: i32, %arg1: i32, %arg2: memref<2xi32, #tpu.memory_space<smem>>, %arg3: memref<2xi32, #tpu.memory_space<smem>>) -> (i32, i32, i32) {
    %get3A = arith.index_cast %arg0 : i32 to index
    %get3A_0 = memref.load %arg2[%get3A] : memref<2xi32, #tpu.memory_space<smem>>
    %c0_i32 = arith.constant 0 : i32
    %c0_i32_1 = arith.constant 0 : i32
    return %get3A_0, %arg1, %c0_i32 : i32, i32, i32
  }
  func.func @transform_2(%arg0: i32, %arg1: i32, %arg2: memref<2xi32, #tpu.memory_space<smem>>, %arg3: memref<2xi32, #tpu.memory_space<smem>>) -> (i32, i32, i32) {
    %get3A = arith.index_cast %arg0 : i32 to index
    %get3A_0 = memref.load %arg2[%get3A] : memref<2xi32, #tpu.memory_space<smem>>
    %c0_i32 = arith.constant 0 : i32
    %c0_i32_1 = arith.constant 0 : i32
    %c0_i32_2 = arith.constant 0 : i32
    return %get3A_0, %c0_i32, %c0_i32_1 : i32, i32, i32
  }
  func.func @transform_3(%arg0: i32, %arg1: i32, %arg2: memref<2xi32, #tpu.memory_space<smem>>, %arg3: memref<2xi32, #tpu.memory_space<smem>>) -> (i32, i32) {
    %c0_i32 = arith.constant 0 : i32
    %c0_i32_0 = arith.constant 0 : i32
    %c0_i32_1 = arith.constant 0 : i32
    return %c0_i32, %c0_i32_0 : i32, i32
  }
  func.func @transform_4(%arg0: i32, %arg1: i32, %arg2: memref<2xi32, #tpu.memory_space<smem>>, %arg3: memref<2xi32, #tpu.memory_space<smem>>) -> (i32, i32) {
    %c0_i32 = arith.constant 0 : i32
    %c0_i32_0 = arith.constant 0 : i32
    %c0_i32_1 = arith.constant 0 : i32
    return %c0_i32, %c0_i32_0 : i32, i32
  }
  func.func @transform_5(%arg0: i32, %arg1: i32, %arg2: memref<2xi32, #tpu.memory_space<smem>>, %arg3: memref<2xi32, #tpu.memory_space<smem>>) -> (i32, i32) {
    %c0_i32 = arith.constant 0 : i32
    %c0_i32_0 = arith.constant 0 : i32
    %c0_i32_1 = arith.constant 0 : i32
    return %c0_i32, %c0_i32_0 : i32, i32
  }
  func.func @transform_6(%arg0: i32, %arg1: i32, %arg2: memref<2xi32, #tpu.memory_space<smem>>, %arg3: memref<2xi32, #tpu.memory_space<smem>>) -> (i32, i32) {
    %c0_i32 = arith.constant 0 : i32
    %c0_i32_0 = arith.constant 0 : i32
    %c0_i32_1 = arith.constant 0 : i32
    return %c0_i32, %c0_i32_0 : i32, i32
  }
  func.func @transform_7(%arg0: i32, %arg1: i32, %arg2: memref<2xi32, #tpu.memory_space<smem>>, %arg3: memref<2xi32, #tpu.memory_space<smem>>) -> (i32, i32) {
    %c0_i32 = arith.constant 0 : i32
    %c0_i32_0 = arith.constant 0 : i32
    %c0_i32_1 = arith.constant 0 : i32
    return %c0_i32, %c0_i32_0 : i32, i32
  }
  func.func @transform_8(%arg0: i32, %arg1: i32, %arg2: memref<2xi32, #tpu.memory_space<smem>>, %arg3: memref<2xi32, #tpu.memory_space<smem>>) -> (i32, i32) {
    %c0_i32 = arith.constant 0 : i32
    %c0_i32_0 = arith.constant 0 : i32
    %c0_i32_1 = arith.constant 0 : i32
    return %c0_i32, %c0_i32_0 : i32, i32
  }
  func.func @transform_9(%arg0: i32, %arg1: i32, %arg2: memref<2xi32, #tpu.memory_space<smem>>, %arg3: memref<2xi32, #tpu.memory_space<smem>>) -> (i32, i32) {
    %c0_i32 = arith.constant 0 : i32
    %c0_i32_0 = arith.constant 0 : i32
    %c0_i32_1 = arith.constant 0 : i32
    return %c0_i32, %c0_i32_0 : i32, i32
  }
  func.func @transform_10(%arg0: i32, %arg1: i32, %arg2: memref<2xi32, #tpu.memory_space<smem>>, %arg3: memref<2xi32, #tpu.memory_space<smem>>) -> (i32, i32, i32, i32) {
    %get3A = arith.index_cast %arg0 : i32 to index
    %get3A_0 = memref.load %arg2[%get3A] : memref<2xi32, #tpu.memory_space<smem>>
    %c0_i32 = arith.constant 0 : i32
    %c0_i32_1 = arith.constant 0 : i32
    %c0_i32_2 = arith.constant 0 : i32
    return %arg1, %get3A_0, %c0_i32, %c0_i32_1 : i32, i32, i32, i32
  }
  func.func @transform_11(%arg0: i32, %arg1: i32, %arg2: memref<2xi32, #tpu.memory_space<smem>>, %arg3: memref<2xi32, #tpu.memory_space<smem>>) -> (i32, i32, i32) {
    %mul3A = arith.constant 16 : i32
    %mul3A_0 = arith.muli %arg0, %mul3A : i32
    %add3A = arith.addi %mul3A_0, %arg1 : i32
    %c0_i32 = arith.constant 0 : i32
    %c0_i32_1 = arith.constant 0 : i32
    %c0_i32_2 = arith.constant 0 : i32
    return %add3A, %c0_i32, %c0_i32_1 : i32, i32, i32
  }
  func.func @transform_12(%arg0: i32, %arg1: i32, %arg2: memref<2xi32, #tpu.memory_space<smem>>, %arg3: memref<2xi32, #tpu.memory_space<smem>>) -> (i32, i32, i32) {
    %c0_i32 = arith.constant 0 : i32
    %c0_i32_0 = arith.constant 0 : i32
    %c0_i32_1 = arith.constant 0 : i32
    return %arg0, %c0_i32, %c0_i32_0 : i32, i32, i32
  }
}

</mosaic_0001>

<sc_bundles>
// kernel: sparse-core-data-format-call.cloned.1.call-start
scs
called_computation_lowered:
.L_overlay_start_0:
0x0: {  	s2 =	sld [smem:$0x3FD9]  }
0x1: {  	s3 =	sld [smem:$0x3FFE];
	_ =	sdelay $0x1  }
0x2: {  	s1 =	srdreg.scid  }
0x3: {  	s0 =	sand.u32 $0x1, s1  }
0x4: {  	s18 =	sshll.u32 s0, $0xA;
	s2 =	sadd.s32 s3, s2  }
0x5: {  	s2 =	sadd.s32 s2, s18  }
0x6: {  	[smem:$0x3FC0] =	sst s2  }
0x7: {  	_ = 	snop  }
0x8: {  	s2 =	sld [smem:$0x3FC9];
	(tm) =	ssettm $0x1  }
0x9: {  	s19 =	sld [smem:$0x3FFB];
	_ =	sdelay $0x3  }
0xa: {  	_ =	strace s19  }
0xb: {  	s3 =	sld [smem:$0x3FFC];
	_ =	sdelay $0x3  }
0xc: {  	_ =	strace s3  }
0xd: {  	s3 =	sld [smem:$0x3FFD];
	_ =	sdelay $0x3  }
0xe: {  	_ =	strace s3  }
0xf: {  	_ =	strace $0x8FFFFFFF  }
0x10: {  	s20 =	sld [smem:$0x3FDB];
	_ =	sdelay $0x1  }
0x11: {  	s4 =	simm.s32 $_scs_section_size  }
0x12: {  	s5 =	simm.s32 $_size__tile_overlayer_lowered;
	s6 =	simm.s32 $_tile_overlayer_lowered  }
0x13: {  	s23 =	simm.s32 $0x1BFF;
	s22 =	sshll.u32 s6, $0x1;
	s3 =	sadd.s32 s4, s20  }
0x14: {  	s7 =	simm.s32 $0x0;
	s21 =	sshll.u32 s5, $0x1;
	s5 =	sadd.s32 s22, s3  }
0x15: {  	[timem:s7], [sflag:s23] =	dma.local [hbm:s5], s21  }
0x16: {  	_ =	swait.ge [sflag:s23], s21  }
0x17: {  	s4 =	ssub.s32 $0x0, s21;
	[sflag:s23] =	ssyncset.done $0x0  }
0x18: {  	[sflag:s23] =	ssyncadd.s32 s4;
	_ =	sdelay $0x1  }
0x19: {  	s24 =	simm.s32 $0x1B8B  }
0x1a: {  	_ =	swait.ge [sflag:s24], $0x1  }
0x1b: {  	[sflag:s24] =	ssyncset.done $0x0  }
0x1c: {  	s26 =	simm.s32 $0x1B8E;
	s25 =	sld [smem:$0x3FFE];
	[sflag:s24] =	ssyncadd.s32 $0xFFFFFFFF  }
0x1d: {  	s27 =	simm.s32 $execute0_lowered;
	[smem:$0x3FD2] =	sst s26  }
0x1e: {  	s5 =	sshll.u32 s27, $0x1;
	_ =	strace $0x80000046;
	[dreg:$0x1] =	wrdreg $0xFFFFFFFF  }
0x1f: {  	s28 =	simm.s32 $_size_execute0_lowered;
	s3 =	sadd.s32 s3, s5;
	[dreg:$0x0] =	wrdreg $0x0  }
0x20: {  	s5 =	sshll.u32 s28, $0x1;
	[dreg:$0x2] =	wrdreg s3  }
0x21: {  	[dreg:$0x3] =	wrdreg s5  }
0x22: {  	[dreg:$0x4] =	wrdreg $0xC0  }
0x23: {  	_ =	task [dreg:s7], $0x5FFFF  }
0x24: {  	[dreg:$0x1] =	wrdreg $0xFFFFFFFF  }
0x25: {  	[dreg:$0x0] =	wrdreg $0x60  }
0x26: {  	[dreg:$0x2] =	wrdreg s2  }
0x27: {  	[dreg:$0x3] =	wrdreg s25  }
0x28: {  	[dreg:$0x4] =	wrdreg $0x9  }
0x29: {  	_ =	task.clear_ibuf [dreg:s7], $0x5FFFF;
	_ =	strace $0x90000046  }
0x2a: {  	s29 =	simm.s32 $0x9;
	_ =	strace $0x80000048  }
0x2b: {  	_ =	swait.ge [sflag:s29], $0x1  }
0x2c: {  	[sflag:s29] =	ssyncadd.s32 $0xFFFFFFFF  }
0x2d: {  	_ =	strace $0x90000048  }
0x2e: {  	_ =	sfence  }
0x2f: {  	s30 =	sld [smem:$0x0];
	_ =	sdelay $0x2  }
0x30: {  	s31 =	sshll.u32 s1, $0xD;
	s1 =	sshrl.u32 s1, $0x2  }
0x31: {  	s3 =	sand.u32 $0x4000, s31;
	s1 =	sadd.s32 s1, s30  }
0x32: {  	s0 =	sor.u32 s3, s0;
	s1 =	sshll.u32 s1, $0x11  }
0x33: {  	s0 =	sor.u32 s1, s0  }
0x34: {  	s0 =	sadd.s32 $0x8F2B, s0  }
0x35: {  	[sflag:s0] =	ssyncadd.remote.s32 $0x1  }
0x36: {  	_ =	sfence.sel $0xFFFF  }
0x37: {  	[dreg:$0x0] =	wrdreg $0xFFFFFFFF;
	(pc) =	sbr.abs _section_cstart, $3  }
0x38: {  	[dreg:$0x1] =	wrdreg $0xFFFFFFFF  }
0x39: {  	_ =	task.clear_ibuf [dreg:s7], $0x2FFFF;
	_ =	strace $0x9FFFFFFF  }
0x3a: {  	(tm) =	ssettm $0x7FFFFFFF  }
0x3b: {  	_ =	shalt  }
tec
execute0_lowered:
.L_overlay_start_1:
0x0: {  	(tag) =	ssettag $0x1  }
0x1: {  	s2 =	rddreg [dreg:$0x0]  }
0x2: {  	s1 =	rddreg [dreg:$0x1]  }
0x3: {  	s0 =	rddreg [dreg:$0x2];
	_ =	strace $0x80000047;
	s4 =	srdreg.scid  }
0x4: {  	s6 =	simm.s32 $0x2;
	s11 =	simm.s32 $0x0;
	p0 =	por $0x0, $0x0  }
.Ltmp0:
0x5: {  	s7 =	simm.s32 $0x100000;
	s12 =	simm.s32 $0x0;
	(pc) =	sbr.rel .LBB1_1-.Ltmp0, $4  }
0x6: {  	s9 =	simm.s32 $0x0;
	s3 =	sadd.s32 $0x1800, s1;
	s5 =	sshll.u32 s4, $0x4  }
0x7: {  	s1 =	stileid.u32;
	s4 =	simm.s32 $0x1;
	s5 =	sand.u32 $0x10, s5  }
0x8: {  	s8 =	simm.s32 $0x0;
	[sflag:s4] =	ssyncpa.u1 $0x0;
	s5 =	sor.u32 s1, s5  }
0x9: {  	[sflag:s6] =	ssyncpa.u1 $0x0;
	s6 =	simm.s32 $0x200;
	s10 =	smov.u32 s5  }
.LBB1_7:
0xa: {  	s13 =	sadd.s32 $0x4, s9  }
0xb: {  	s11 =	sadd.s32 $0x20, s10;
	s15 =	smov.u32 s10;
	p2 =	sgt.s32 s13, $0xFF  }
0xc: {  	p1 =	slt.u32 s8, $0x2;
	s15 =	smov.u32 @p2 s11  }
0xd: {  	s8 =	sadd.s32 $0x1, s8;
	s13 =	simm.s32 @p2 $0x0;
	p2 =	sgt.s32 s15, $0x1F  }
0xe: {  	s15 =	smov.u32 @p2 s5;
	p2 =	sne.s32 s8, $0x42  }
.Ltmp1:
0xf: {  	_ = 	snop;
	(pc) =	sbr.rel @!p2 .LBB1_8-.Ltmp1, $4  }
0x10: {  	s14 =	simm.s32 @!p1 $0x2  }
0x11: {  	s12 =	smov.u32 s10;
	_ =	swait.ge @!p1 [sflag:s14], $0x4000  }
0x12: {  	p0 =	por !p0, !p0;
	s11 =	smov.u32 s9;
	[sflag:s14] =	ssyncset.done @!p1 $0x0  }
0x13: {  	s9 =	smov.u32 s13;
	[sflag:s14] =	ssyncadd.s32 @!p1 $0xFFFFC000;
	s10 =	smov.u32 s15  }
.LBB1_1:
0x14: {  	p1 =	sgt.u32 s8, $0x3F  }
0x15: {  	s13 =	sxor.u32 @!p1 $0xFFFFFFFF, s8;
	s14 =	sshll.u32 @!p1 s10, $0x11  }
0x16: {  	s15 =	sshll.u32 @!p1 s9, $0x9;
	s13 =	sshll.u32 @!p1 s13, $0xE;
	s14 =	sadd.s32 @!p1 s2, s14  }
0x17: {  	s13 =	sand.u32 @!p1 $0x4000, s13;
	s14 =	sadd.s32 @!p1 s15, s14;
	s15 =	simm.s32 @!p1 $0x0  }
0x18: {  	[tilespmem:s13], [sflag:$0x1] =	stream.linear.gather @!p1 [hbm4b:s14+s15], $0x4000, $0x38;
	[tilespmem:$0x10000] =	vst v63  }
0x19: {  	p1 =	seq.s32 s8, $0x0  }
0x1a: {  	p2 =	seq.s32 @!p1 s8, $0x41  }
0x1b: {  	p1 =	por p1, p2  }
.Ltmp2:
0x1c: {  	_ = 	snop;
	(pc) =	sbr.rel @p1 .LBB1_7-.Ltmp2, $1  }
0x1d: {  	_ =	sdelay $0x3  }
0x1e: {  	s13 =	simm.s32 $0x1;
	_ =	swait.ge [sflag:s4], $0x4000;
	s16 =	sshll.u32 s8, $0xE  }
0x1f: {  	s13 =	simm.s32 @!p0 $0x0;
	[sflag:s4] =	ssyncset.done $0x0;
	s31 =	sand.u32 $0x4000, s16  }
0x20: {  	s16 =	simm.s32 $0x0;
	s14 =	sshll.u32 s13, $0xE;
	[sflag:s4] =	ssyncadd.s32 $0xFFFFC000  }
0x21: {  	s13 =	sor.u32 $0x8040, s14;
	s15 =	sor.u32 $0x40, s14;
	s14 =	sor.u32 $0x8000, s31  }
.LBB1_3:
0x22: {  	v0 =	vmov s15;
	_ =	sdelay $0x3  }
0x23: {  	s18 =	simm.s32 $0x0  }
0x24: {  	v6 =	vld.idx.msk [tilespmem:v0+s18+$0x30 ss:$0x1], $0xffff  }
0x25: {  	v7 =	vld.idx.msk [tilespmem:v0+s18+$0xFFFFFFC0 ss:$0x1], $0xffff  }
0x26: {  	v5 =	vld.idx.msk [tilespmem:v0+s18+$0xFFFFFFD0 ss:$0x1], $0xffff  }
0x27: {  	v4 =	vld.idx.msk [tilespmem:v0+s18+$0xFFFFFFE0 ss:$0x1], $0xffff  }
0x28: {  	v3 =	vld.idx.msk [tilespmem:v0+s18+$0xFFFFFFF0 ss:$0x1], $0xffff  }
0x29: {  	v1 =	vld.idx.msk [tilespmem:v0+s18+$0x0 ss:$0x1], $0xffff  }
0x2a: {  	v2 =	vld.idx.msk [tilespmem:v0+s18+$0x10 ss:$0x1], $0xffff;
	[tilespmem:s13+$0x30] =	vst v6  }
0x2b: {  	s17 =	simm.s32 $0x80;
	s19 =	simm.s32 $0x400;
	[tilespmem:s13+$0xFFFFFFC0] =	vst v7;
	v6 =	vld.idx.msk [tilespmem:v0+s18+$0x20 ss:$0x1], $0xffff;
	s18 =	smov.u32 s13  }
.LBB1_4:
0x2c: {  	p1 =	sne.s32 s19, $0x3E00;
	v7 =	vld.idx.msk [tilespmem:v0+s17+$0x30 ss:$0x1], $0xffff;
	[tilespmem:s18+$0xFFFFFFD0] =	vst v5  }
0x2d: {  	v8 =	vld.idx.msk [tilespmem:v0+s17+$0xFFFFFFC0 ss:$0x1], $0xffff;
	[tilespmem:s18+$0xFFFFFFE0] =	vst v4  }
0x2e: {  	v5 =	vld.idx.msk [tilespmem:v0+s17+$0xFFFFFFD0 ss:$0x1], $0xffff;
	[tilespmem:s18+$0xFFFFFFF0] =	vst v3  }
.Ltmp3:
0x2f: {  	v4 =	vld.idx.msk [tilespmem:v0+s17+$0xFFFFFFE0 ss:$0x1], $0xffff;
	[tilespmem:s18+$0x0] =	vst v1;
	(pc) =	sbr.rel @p1 .LBB1_4-.Ltmp3, $4  }
0x30: {  	v3 =	vld.idx.msk [tilespmem:v0+s17+$0xFFFFFFF0 ss:$0x1], $0xffff;
	[tilespmem:s18+$0x10] =	vst v2  }
0x31: {  	v1 =	vld.idx.msk [tilespmem:v0+s17+$0x0 ss:$0x1], $0xffff;
	[tilespmem:s18+$0x20] =	vst v6;
	s18 =	sadd.s32 $0x200, s18  }
0x32: {  	v2 =	vld.idx.msk [tilespmem:v0+s17+$0x10 ss:$0x1], $0xffff;
	[tilespmem:s18+$0x30] =	vst v7  }
0x33: {  	[tilespmem:s18+$0xFFFFFFC0] =	vst v8;
	v6 =	vld.idx.msk [tilespmem:v0+s17+$0x20 ss:$0x1], $0xffff;
	s17 =	sshra.s32 s19, $0x2;
	s19 =	sadd.s32 $0x200, s19  }
0x34: {  	_ =	sdelay $0x2  }
0x35: {  	[tilespmem:s18+$0xFFFFFFD0] =	vst v5  }
0x36: {  	v56 =	vld.idx.msk [tilespmem:v0+s17+$0x30 ss:$0x1], $0xffff;
	[tilespmem:s18+$0xFFFFFFE0] =	vst v4  }
0x37: {  	v57 =	vld.idx.msk [tilespmem:v0+s17+$0xFFFFFFC0 ss:$0x1], $0xffff;
	[tilespmem:s18+$0xFFFFFFF0] =	vst v3  }
0x38: {  	v58 =	vld.idx.msk [tilespmem:v0+s17+$0xFFFFFFD0 ss:$0x1], $0xffff;
	[tilespmem:s18+$0x0] =	vst v1  }
0x39: {  	v59 =	vld.idx.msk [tilespmem:v0+s17+$0xFFFFFFE0 ss:$0x1], $0xffff;
	[tilespmem:s18+$0x10] =	vst v2  }
0x3a: {  	v60 =	vld.idx.msk [tilespmem:v0+s17+$0xFFFFFFF0 ss:$0x1], $0xffff;
	s31 =	sadd.s32 $0x200, s18;
	[tilespmem:s18+$0x20] =	vst v6  }
0x3b: {  	v61 =	vld.idx.msk [tilespmem:v0+s17+$0x0 ss:$0x1], $0xffff;
	[tilespmem:s31+$0x30] =	vst v56  }
0x3c: {  	v62 =	vld.idx.msk [tilespmem:v0+s17+$0x10 ss:$0x1], $0xffff;
	s16 =	sadd.s32 $0x1, s16;
	[tilespmem:s31+$0xFFFFFFC0] =	vst v57  }
0x3d: {  	v63 =	vld.idx.msk [tilespmem:v0+s17+$0x20 ss:$0x1], $0xffff;
	p1 =	sne.s32 s16, $0x4;
	[tilespmem:s31+$0xFFFFFFD0] =	vst v58  }
.Ltmp4:
0x3e: {  	[tilespmem:s31+$0xFFFFFFE0] =	vst v59;
	(pc) =	sbr.rel @p1 .LBB1_3-.Ltmp4, $4  }
0x3f: {  	[tilespmem:s31+$0xFFFFFFF0] =	vst v60  }
0x40: {  	[tilespmem:s31+$0x0] =	vst v61  }
0x41: {  	[tilespmem:s31+$0x10] =	vst v62  }
0x42: {  	s13 =	sadd.s32 $0x80, s13;
	s15 =	sadd.s32 $0x1000, s15;
	[tilespmem:s31+$0x20] =	vst v63  }
.Ltmp5:
0x43: {  	(pc) =	sbr.rel .LBB1_7-.Ltmp5, $4  }
0x44: {  	s12 =	sshll.u32 s12, $0xC;
	s11 =	sshll.u32 s11, $0x4  }
0x45: {  	s11 =	sand.u32 $0xFF0, s11;
	s12 =	sadd.s32 s3, s12  }
0x46: {  	s11 =	sadd.s32 s11, s12  }
0x47: {  	[hbm4b:s11+s6] =	stream.strided.scatter [tilespmem:s14], [sflag:$0x2], $0x4000, s7, s6, $0x38;
	[tilespmem:$0x10000] =	vst v63  }
.LBB1_8:
0x48: {  	_ =	sfence.sel $0x180000  }
0x49: {  	s2 =	simm.s32 $0x1;
	[bflag:$0x0] =	sbarrier.arrive $0xFFFF  }
0x4a: {  	s31 =	simm.s32 $0x2;
	[sflag:s2] =	ssyncpa.u1 $0x1  }
0x4b: {  	[sflag:s31] =	ssyncpa.u1 $0x1  }
0x4c: {  	p0 =	sne.s32 s1, $0x0;
	_ =	strace $0x90000047  }
0x4d: {  	s0 =	sadd.s32 @!p0 $0x100000, s0;
	[bflag:$0x2] =	sbarrier.arrive $0xFFFF  }
0x4e: {  	[sflag:s0] =	ssyncadd.tile.s32 @!p0 $0x1;
	_ =	shalt  }
.Lfunc_end1:
_tile_overlayer_lowered:
.L_overlay_start_2:
0x4f: {  	(tag) =	ssettag $0x2  }
0x50: {  	s0 =	rddreg [dreg:$0x0];
	s2 =	stileid.u32  }
0x51: {  	s1 =	rddreg [dreg:$0x1];
	p0 =	sne.s32 s2, $0x0  }
0x52: {  	s3 =	rddreg [dreg:$0x2];
	[bflag:$0x3] =	sbarrier.arrive $0xFFFF;
	s2 =	simm.s32 @!p0 $0x1C01  }
0x53: {  	[timem:s3], [sflag:s2] =	dma.local @!p0 [hbm:s0], s1  }
0x54: {  	s0 =	simm.s32 @!p0 $0x1  }
0x55: {  	_ =	swait.ge @!p0 [sflag:s0], s1  }
0x56: {  	s1 =	ssub.s32 @!p0 $0x0, s1;
	[sflag:s0] =	ssyncset.done @!p0 $0x0  }
0x57: {  	[sflag:s0] =	ssyncadd.s32 @!p0 s1  }
0x58: {  	[bflag:$0x3] =	sbarrier.arrive $0xFFFF  }
0x59: {  	_ =	shalt  }

</sc_bundles>
